<compile_context>
chip_gen: v7x
topology: tpu7x:2x2x1
jax: 0.10.2.dev20260603
libtpu: 0.0.44.dev20260713+nightly
codegen_flags: <defaults>
</compile_context>

<pallas_src>
import jax
import jax.numpy as jnp
from jax import lax
from jax.experimental import pallas as pl
from jax.experimental.pallas import tpu as pltpu
from jax.experimental.pallas import tpu_sc as plsc

N = 500
NPAD = 512
F = 50
C_IN = 128
E = 8000
NW = 32
EPW = 256
ACELLS = NPAD * NPAD
SLICE = ACELLS // 16


EPR = E // NW


def _sc_build_counts(dst_hbm, src_hbm, out_hbm, shared, dvec, svec,
                     idx_a, idx_b, val_a, val_b, zbuf):
    c = lax.axis_index("c")
    s = lax.axis_index("s")
    wid = c * 16 + s

    def zbody(i, carry):
        zbuf[pl.ds(i * 16, 16)] = jnp.zeros((16,), jnp.float32)
        return carry
    lax.fori_loop(0, SLICE // 16, zbody, 0)
    pltpu.sync_copy(zbuf, shared.at[pl.ds(s * SLICE, SLICE)])
    plsc.subcore_barrier()

    lo = wid * EPR
    base = pl.multiple_of(lo - (lo & 7), 8)
    pltpu.sync_copy(dst_hbm.at[pl.ds(base, EPW)], dvec)
    pltpu.sync_copy(src_hbm.at[pl.ds(base, EPW)], svec)

    lane = lax.iota(jnp.int32, 16)
    for j in range(EPW // 16):
        d = dvec[pl.ds(j * 16, 16)]
        sv = svec[pl.ds(j * 16, 16)]
        flat = ((sv >> 7) << 16) + (d << 7) + (sv & 127)
        gid = base + j * 16 + lane
        val = jnp.where((gid >= lo) & (gid < lo + EPR),
                        jnp.float32(1.0), jnp.float32(0.0))
        if j < 8:
            idx_a[pl.ds(j * 16, 16)] = flat
            val_a[pl.ds(j * 16, 16)] = val
        else:
            idx_b[pl.ds((j - 8) * 16, 16)] = flat
            val_b[pl.ds((j - 8) * 16, 16)] = val

    pltpu.sync_copy(val_a, shared.at[idx_a], add=True)
    pltpu.sync_copy(val_b, shared.at[idx_b], add=True)
    plsc.subcore_barrier()

    pltpu.sync_copy(shared.at[pl.ds(s * SLICE, SLICE)],
                    out_hbm.at[pl.ds(wid * SLICE, SLICE)])


@jax.jit
def _build_counts(dst, src):
    mesh = plsc.VectorSubcoreMesh(core_axis_name="c", subcore_axis_name="s")
    return pl.kernel(
        _sc_build_counts,
        out_type=jax.ShapeDtypeStruct((2 * ACELLS,), jnp.float32),
        mesh=mesh,
        scratch_types=[
            pltpu.MemorySpace.VMEM_SHARED((ACELLS,), jnp.float32),
            pltpu.VMEM((EPW,), jnp.int32),
            pltpu.VMEM((EPW,), jnp.int32),
            pltpu.VMEM((128,), jnp.int32),
            pltpu.VMEM((128,), jnp.int32),
            pltpu.VMEM((128,), jnp.float32),
            pltpu.VMEM((128,), jnp.float32),
            pltpu.VMEM((SLICE,), jnp.float32),
        ],
    )(dst, src)


FB = 25
GB = 5


def _tc_main(a_ref, x_ref, w1_ref, b1_ref, w2_ref, b2_ref, wfc_ref, bfc_ref,
             out_ref, ahat_s, acc_s, w1_s, w2_s):
    f = pl.program_id(0)

    @pl.when(f == 0)
    def _init():
        A = jnp.concatenate(
            [a_ref[0, c] + a_ref[1, c] for c in range(4)], axis=1)
        deg = jnp.sum(A, axis=1) + 1.0
        dinv = lax.rsqrt(deg)
        r = lax.broadcasted_iota(jnp.int32, (NPAD, NPAD), 0)
        cc = lax.broadcasted_iota(jnp.int32, (NPAD, NPAD), 1)
        eye = jnp.where(r == cc, jnp.float32(1.0), jnp.float32(0.0))
        ahat_s[...] = ((A + eye) * dinv[:, None] * dinv[None, :]).astype(
            jnp.bfloat16)
        acc_s[...] = jnp.zeros((1, NPAD), jnp.float32)
        w1_s[...] = w1_ref[...].astype(jnp.bfloat16)
        w2_s[...] = w2_ref[...].astype(jnp.bfloat16)

    ah = ahat_s[...]
    rr = lax.broadcasted_iota(jnp.int32, (1, NPAD), 1)
    ones_n = jnp.where(rr < N, 1.0, 0.0).astype(jnp.bfloat16)
    xflat = x_ref[...].reshape(10 * FB * 50, C_IN)
    w1 = w1_s[...]
    b1 = b1_ref[...].astype(jnp.bfloat16)
    w2 = w2_s[...]
    b2 = b2_ref[...].astype(jnp.bfloat16)
    zpad = jnp.zeros((NPAD - N, GB * C_IN), jnp.float32)
    part = jnp.zeros((1, NPAD), jnp.float32)
    for g in range(FB // GB):
        xcat = jnp.concatenate(
            [xflat[(g * GB + k) * N:(g * GB + k + 1) * N] for k in range(GB)],
            axis=1)
        xcat = jnp.concatenate([xcat, zpad], axis=0)
        t0 = jnp.dot(ah, xcat.astype(jnp.bfloat16),
                     preferred_element_type=jnp.float32).astype(jnp.bfloat16)
        h1 = [
            jnp.maximum(
                jnp.dot(t0[:, k * C_IN:(k + 1) * C_IN], w1,
                        preferred_element_type=jnp.float32).astype(
                            jnp.bfloat16) + b1, 0)
            for k in range(GB)
        ]
        t1 = jnp.dot(ah, jnp.concatenate(h1, axis=1),
                     preferred_element_type=jnp.float32).astype(jnp.bfloat16)
        for k in range(GB):
            h2 = jnp.maximum(
                jnp.dot(t1[:, k * 256:(k + 1) * 256], w2,
                        preferred_element_type=jnp.float32).astype(
                            jnp.bfloat16) + b2, 0)
            part += jnp.dot(ones_n, h2, preferred_element_type=jnp.float32)
    acc_s[...] += part

    @pl.when(f == F // FB - 1)
    def _fin():
        hmean = acc_s[...] / jnp.float32(N * F)
        out_ref[...] = (
            jnp.dot(hmean, wfc_ref[...], preferred_element_type=jnp.float32)
            + bfc_ref[...])


@jax.jit
def _main(a2, xb, W1, b1, W2, b2, Wfc, bfc):
    const4 = lambda f: (0, 0, 0, 0)
    const2 = lambda f: (0, 0)
    return pl.pallas_call(
        _tc_main,
        grid=(F // FB,),
        in_specs=[
            pl.BlockSpec((2, 4, NPAD, C_IN), const4),
            pl.BlockSpec((10 * FB, F, C_IN), lambda f: (f, 0, 0)),
            pl.BlockSpec(W1.shape, const2),
            pl.BlockSpec(b1.shape, const2),
            pl.BlockSpec(W2.shape, const2),
            pl.BlockSpec(b2.shape, const2),
            pl.BlockSpec(Wfc.shape, const2),
            pl.BlockSpec(bfc.shape, const2),
        ],
        out_specs=pl.BlockSpec((1, NPAD), const2),
        out_shape=jax.ShapeDtypeStruct((1, NPAD), jnp.float32),
        scratch_shapes=[
            pltpu.VMEM((NPAD, NPAD), jnp.bfloat16),
            pltpu.VMEM((1, NPAD), jnp.float32),
            pltpu.VMEM((C_IN, 256), jnp.bfloat16),
            pltpu.VMEM((256, 512), jnp.bfloat16),
        ],
        compiler_params=pltpu.CompilerParams(
            dimension_semantics=("arbitrary",)),
    )(a2, xb, W1, b1, W2, b2, Wfc, bfc)


def kernel(x, edge_index, W1, b1, W2, b2, Wfc, bfc):
    counts2 = _build_counts(edge_index[1], edge_index[0])
    a2 = counts2.reshape(2, 4, NPAD, C_IN)
    out = _main(a2, x, W1, b1.reshape(1, -1), W2, b2.reshape(1, -1),
                Wfc, bfc.reshape(1, -1))
    return out.reshape(-1)[: Wfc.shape[1]]

# --- scband reference (transcript-rebuilt; emitter-appended) ---
"""Pipeline reference for scband-stgcnfeature-extractor-33818572489275 (READ-ONLY COPY).

The authoritative reference and input builder live on the scoring server;
editing this copy changes nothing except your own understanding.
"""

import jax, jax.numpy as jnp
import numpy as np


def setup_inputs(seed: int = 0) -> dict:
    key = jax.random.key(seed)
    ks = jax.random.split(key, 8)
    x = jax.random.normal(ks[0], (500, 50, 128), dtype=jnp.float32)
    edge_index = jax.random.randint(ks[1], (2, 8000), 0, 500, dtype=jnp.int32)
    W1 = jax.random.normal(ks[2], (128, 256), dtype=jnp.float32) * 0.05
    b1 = jnp.zeros((256,), dtype=jnp.float32)
    W2 = jax.random.normal(ks[3], (256, 512), dtype=jnp.float32) * 0.05
    b2 = jnp.zeros((512,), dtype=jnp.float32)
    Wfc = jax.random.normal(ks[4], (512, 512), dtype=jnp.float32) * 0.05
    bfc = jnp.zeros((512,), dtype=jnp.float32)
    return {"x": x, "edge_index": edge_index, "W1": W1, "b1": b1, "W2": W2, "b2": b2, "Wfc": Wfc, "bfc": bfc}


def gcn_conv(x, edge_index, W, b):
    # PyG GCNConv default: add self-loops, symmetric normalization, scatter-add aggregation
    N = x.shape[0]
    loop = jnp.arange(N, dtype=edge_index.dtype)
    src = jnp.concatenate([edge_index[0], loop])
    dst = jnp.concatenate([edge_index[1], loop])
    deg = jnp.zeros((N,), dtype=x.dtype).at[dst].add(1.0)
    dinv = jax.lax.rsqrt(deg)
    h = x @ W
    norm = (dinv[src] * dinv[dst])[:, None]
    out = jnp.zeros((N, W.shape[1]), dtype=x.dtype).at[dst].add(h[src] * norm)
    return out + b


def reference(x, edge_index, W1, b1, W2, b2, Wfc, bfc):
    num_nodes, num_frames, _ = x.shape
    x_reshaped = x.reshape(num_nodes * num_frames, -1)
    E = edge_index.shape[1]
    ei = jnp.tile(edge_index, (1, num_frames))
    offsets = jnp.repeat(jnp.arange(num_frames, dtype=edge_index.dtype), E) * num_nodes
    ei = ei + offsets[None, :]
    h = jax.nn.relu(gcn_conv(x_reshaped, ei, W1, b1))
    h = jax.nn.relu(gcn_conv(h, ei, W2, b2))
    h = h.reshape(num_nodes, num_frames, -1).mean(axis=0).mean(axis=0)
    return h @ Wfc + bfc

if __name__ == "__main__":
    import jax
    _d = setup_inputs()
    print(jax.jit(kernel)(*tuple(_d.values())))

</pallas_src>

<mosaic_0001>
#map = affine_map<(d0, d1) -> (0)>
module attributes {stable_mosaic.version = 14 : i64} {
  func.func @_sc_build_counts(%arg0: i32, %arg1: i32, %arg2: memref<8000xi32, #tpu.memory_space<hbm>>, %arg3: memref<8000xi32, #tpu.memory_space<hbm>>, %arg4: memref<524288xf32, #tpu.memory_space<hbm>>, %arg5: memref<262144xf32, #tpu.memory_space<vmem_shared>>, %arg6: memref<256xi32, #tpu.memory_space<vmem>>, %arg7: memref<256xi32, #tpu.memory_space<vmem>>, %arg8: memref<128xi32, #tpu.memory_space<vmem>>, %arg9: memref<128xi32, #tpu.memory_space<vmem>>, %arg10: memref<128xf32, #tpu.memory_space<vmem>>, %arg11: memref<128xf32, #tpu.memory_space<vmem>>, %arg12: memref<16384xf32, #tpu.memory_space<vmem>>) attributes {dimension_semantics = [#tpu.dimension_semantics<core_parallel>, #tpu.dimension_semantics<subcore_parallel>], iteration_bounds = array<i64: 2, 16>, scalar_prefetch = 0 : i64, scratch_operands = 8 : i64, tpu.core_type = #tpu.core_type<sc_vector_subcore>, window_params = [{transform_indices = #map}, {transform_indices = #map}, {transform_indices = #map}]} {
    %mul3A = arith.constant 16 : i32
    %mul3A_0 = arith.muli %arg0, %mul3A : i32
    %add3A = arith.addi %mul3A_0, %arg1 : i32
    %scan3A = arith.constant 0 : i32
    %scan3A_1 = arith.constant 0 : i32
    %scan3A_2 = arith.constant 1024 : i32
    %scan3A_3 = arith.addi %scan3A_1, %scan3A_2 : i32
    %scan3A_4 = arith.constant 1 : i32
    scf.for %scan3A_711 = %scan3A_1 to %scan3A_3 step %scan3A_4  : i32 {
      %broadcast_in_dim3A_712 = arith.constant 0.000000e+00 : f32
      %broadcast_in_dim3A_713 = vector.broadcast %broadcast_in_dim3A_712 : f32 to vector<16xf32>
      %mul3A_714 = arith.constant 16 : i32
      %mul3A_715 = arith.muli %scan3A_711, %mul3A_714 : i32
      %swap3A_716 = arith.index_cast %mul3A_715 : i32 to index
      %swap3A_717 = tpu.vector_load %arg12[%swap3A_716] {strides = array<i32>} : memref<16384xf32, #tpu.memory_space<vmem>>, vector<16xf32>,
      %swap3A_718 = vector.shape_cast %swap3A_717 : vector<16xf32> to vector<16xf32>
      %swap3A_719 = vector.shape_cast %broadcast_in_dim3A_713 : vector<16xf32> to vector<16xf32>
      tpu.vector_store %arg12[%swap3A_716], %swap3A_719 {strides = array<i32>} : memref<16384xf32, #tpu.memory_space<vmem>>, vector<16xf32>,
    }
    %scan3A_5 = arith.constant 1024 : i32
    %mul3A_6 = arith.constant 16384 : i32
    %mul3A_7 = arith.muli %arg1, %mul3A_6 : i32
    "tpu.region"() ({
      %run_scoped3A = tpu.sem_alloc : memref<!tpu.dma_semaphore, #tpu.memory_space<semaphore_mem>>
      %dma_start3A = tpu.memref_slice %arg5[%mul3A_7] : memref<262144xf32, #tpu.memory_space<vmem_shared>> -> memref<16384xf32, #tpu.memory_space<vmem_shared>>
      %dma_start3A_711 = tpu.memref_slice %arg5[%mul3A_7] : memref<262144xf32, #tpu.memory_space<vmem_shared>> -> memref<16384xf32, #tpu.memory_space<vmem_shared>>
      tpu.enqueue_dma source(%arg12 : memref<16384xf32, #tpu.memory_space<vmem>>) target(%dma_start3A_711 : memref<16384xf32, #tpu.memory_space<vmem_shared>>) target_semaphore(%run_scoped3A : memref<!tpu.dma_semaphore, #tpu.memory_space<semaphore_mem>>)
      %dma_wait3A = tpu.memref_slice %arg5[%mul3A_7] : memref<262144xf32, #tpu.memory_space<vmem_shared>> -> memref<16384xf32, #tpu.memory_space<vmem_shared>>
      %dma_wait3A_712 = tpu.memref_slice %arg5[%mul3A_7] : memref<262144xf32, #tpu.memory_space<vmem_shared>> -> memref<16384xf32, #tpu.memory_space<vmem_shared>>
      tpu.wait_dma2 semaphore(%run_scoped3A : memref<!tpu.dma_semaphore, #tpu.memory_space<semaphore_mem>>) src(%arg12 : memref<16384xf32, #tpu.memory_space<vmem>>) dst(%dma_wait3A_712 : memref<16384xf32, #tpu.memory_space<vmem_shared>>)
      tpu.yield
    }) : () -> ()
    %barrier3A = arith.constant 0 : index
    tpu.barrier barrier_id(%barrier3A)
    %mul3A_8 = arith.constant 250 : i32
    %mul3A_9 = arith.muli %add3A, %mul3A_8 : i32
    %and3A = arith.constant 7 : i32
    %and3A_10 = arith.andi %mul3A_9, %and3A : i32
    %sub3A = arith.subi %mul3A_9, %and3A_10 : i32
    %multiple_of3A = tpu.assume_multiple %sub3A, 8 : i32
    "tpu.region"() ({
      %run_scoped3A = tpu.sem_alloc : memref<!tpu.dma_semaphore, #tpu.memory_space<semaphore_mem>>
      %dma_start3A = tpu.memref_slice %arg2[%multiple_of3A] : memref<8000xi32, #tpu.memory_space<hbm>> -> memref<256xi32, #tpu.memory_space<hbm>>
      %dma_start3A_711 = tpu.memref_slice %arg2[%multiple_of3A] : memref<8000xi32, #tpu.memory_space<hbm>> -> memref<256xi32, #tpu.memory_space<hbm>>
      tpu.enqueue_dma source(%dma_start3A_711 : memref<256xi32, #tpu.memory_space<hbm>>) target(%arg6 : memref<256xi32, #tpu.memory_space<vmem>>) target_semaphore(%run_scoped3A : memref<!tpu.dma_semaphore, #tpu.memory_space<semaphore_mem>>)
      %dma_wait3A = tpu.memref_slice %arg2[%multiple_of3A] : memref<8000xi32, #tpu.memory_space<hbm>> -> memref<256xi32, #tpu.memory_space<hbm>>
      %dma_wait3A_712 = tpu.memref_slice %arg2[%multiple_of3A] : memref<8000xi32, #tpu.memory_space<hbm>> -> memref<256xi32, #tpu.memory_space<hbm>>
      tpu.wait_dma2 semaphore(%run_scoped3A : memref<!tpu.dma_semaphore, #tpu.memory_space<semaphore_mem>>) src(%dma_wait3A_712 : memref<256xi32, #tpu.memory_space<hbm>>) dst(%arg6 : memref<256xi32, #tpu.memory_space<vmem>>)
      tpu.yield
    }) : () -> ()
    "tpu.region"() ({
      %run_scoped3A = tpu.sem_alloc : memref<!tpu.dma_semaphore, #tpu.memory_space<semaphore_mem>>
      %dma_start3A = tpu.memref_slice %arg3[%multiple_of3A] : memref<8000xi32, #tpu.memory_space<hbm>> -> memref<256xi32, #tpu.memory_space<hbm>>
      %dma_start3A_711 = tpu.memref_slice %arg3[%multiple_of3A] : memref<8000xi32, #tpu.memory_space<hbm>> -> memref<256xi32, #tpu.memory_space<hbm>>
      tpu.enqueue_dma source(%dma_start3A_711 : memref<256xi32, #tpu.memory_space<hbm>>) target(%arg7 : memref<256xi32, #tpu.memory_space<vmem>>) target_semaphore(%run_scoped3A : memref<!tpu.dma_semaphore, #tpu.memory_space<semaphore_mem>>)
      %dma_wait3A = tpu.memref_slice %arg3[%multiple_of3A] : memref<8000xi32, #tpu.memory_space<hbm>> -> memref<256xi32, #tpu.memory_space<hbm>>
      %dma_wait3A_712 = tpu.memref_slice %arg3[%multiple_of3A] : memref<8000xi32, #tpu.memory_space<hbm>> -> memref<256xi32, #tpu.memory_space<hbm>>
      tpu.wait_dma2 semaphore(%run_scoped3A : memref<!tpu.dma_semaphore, #tpu.memory_space<semaphore_mem>>) src(%dma_wait3A_712 : memref<256xi32, #tpu.memory_space<hbm>>) dst(%arg7 : memref<256xi32, #tpu.memory_space<vmem>>)
      tpu.yield
    }) : () -> ()
    %iota3A = tpu.iota {dimensions = array<i32: 0>} : vector<16xi32>
    %get3A = arith.constant 0 : index
    %get3A_11 = tpu.vector_load %arg6[%get3A] {strides = array<i32>} : memref<256xi32, #tpu.memory_space<vmem>>, vector<16xi32>,
    %get3A_12 = vector.shape_cast %get3A_11 : vector<16xi32> to vector<16xi32>
    %get3A_13 = arith.constant 0 : index
    %get3A_14 = tpu.vector_load %arg7[%get3A_13] {strides = array<i32>} : memref<256xi32, #tpu.memory_space<vmem>>, vector<16xi32>,
    %get3A_15 = vector.shape_cast %get3A_14 : vector<16xi32> to vector<16xi32>
    %shift_right_arithmetic3A = arith.constant 7 : i32
    %shift_right_arithmetic3A_16 = vector.broadcast %shift_right_arithmetic3A : i32 to vector<16xi32>
    %shift_right_arithmetic3A_17 = arith.shrsi %get3A_15, %shift_right_arithmetic3A_16 : vector<16xi32>
    %shift_left3A = arith.constant 16 : i32
    %shift_left3A_18 = vector.broadcast %shift_left3A : i32 to vector<16xi32>
    %shift_left3A_19 = arith.shli %shift_right_arithmetic3A_17, %shift_left3A_18 : vector<16xi32>
    %shift_left3A_20 = arith.constant 7 : i32
    %shift_left3A_21 = vector.broadcast %shift_left3A_20 : i32 to vector<16xi32>
    %shift_left3A_22 = arith.shli %get3A_12, %shift_left3A_21 : vector<16xi32>
    %add3A_23 = arith.addi %shift_left3A_19, %shift_left3A_22 : vector<16xi32>
    %and3A_24 = arith.constant 127 : i32
    %and3A_25 = vector.broadcast %and3A_24 : i32 to vector<16xi32>
    %and3A_26 = arith.andi %get3A_15, %and3A_25 : vector<16xi32>
    %add3A_27 = arith.addi %add3A_23, %and3A_26 : vector<16xi32>
    %add3A_28 = arith.constant 0 : i32
    %add3A_29 = arith.addi %multiple_of3A, %add3A_28 : i32
    %add3A_30 = vector.broadcast %add3A_29 : i32 to vector<16xi32>
    %add3A_31 = arith.addi %add3A_30, %iota3A : vector<16xi32>
    %ge3A = vector.broadcast %mul3A_9 : i32 to vector<16xi32>
    %ge3A_32 = arith.cmpi sge, %add3A_31, %ge3A : vector<16xi32>
    %add3A_33 = arith.constant 250 : i32
    %add3A_34 = arith.addi %mul3A_9, %add3A_33 : i32
    %lt3A = vector.broadcast %add3A_34 : i32 to vector<16xi32>
    %lt3A_35 = arith.cmpi slt, %add3A_31, %lt3A : vector<16xi32>
    %and3A_36 = arith.andi %ge3A_32, %lt3A_35 : vector<16xi1>
    %jit3A = arith.constant 1.000000e+00 : f32
    %jit3A_37 = arith.constant 0.000000e+00 : f32
    %broadcast_in_dim3A = vector.broadcast %jit3A : f32 to vector<16xf32>
    %broadcast_in_dim3A_38 = vector.broadcast %jit3A_37 : f32 to vector<16xf32>
    %select_n3A = arith.select %and3A_36, %broadcast_in_dim3A, %broadcast_in_dim3A_38 : vector<16xi1>, vector<16xf32>
    %swap3A = arith.constant 0 : index
    %swap3A_39 = tpu.vector_load %arg8[%swap3A] {strides = array<i32>} : memref<128xi32, #tpu.memory_space<vmem>>, vector<16xi32>,
    %swap3A_40 = vector.shape_cast %swap3A_39 : vector<16xi32> to vector<16xi32>
    %swap3A_41 = vector.shape_cast %add3A_27 : vector<16xi32> to vector<16xi32>
    tpu.vector_store %arg8[%swap3A], %swap3A_41 {strides = array<i32>} : memref<128xi32, #tpu.memory_space<vmem>>, vector<16xi32>,
    %swap3A_42 = arith.constant 0 : index
    %swap3A_43 = tpu.vector_load %arg10[%swap3A_42] {strides = array<i32>} : memref<128xf32, #tpu.memory_space<vmem>>, vector<16xf32>,
    %swap3A_44 = vector.shape_cast %swap3A_43 : vector<16xf32> to vector<16xf32>
    %swap3A_45 = vector.shape_cast %select_n3A : vector<16xf32> to vector<16xf32>
    tpu.vector_store %arg10[%swap3A_42], %swap3A_45 {strides = array<i32>} : memref<128xf32, #tpu.memory_space<vmem>>, vector<16xf32>,
    %get3A_46 = arith.constant 16 : index
    %get3A_47 = tpu.vector_load %arg6[%get3A_46] {strides = array<i32>} : memref<256xi32, #tpu.memory_space<vmem>>, vector<16xi32>,
    %get3A_48 = vector.shape_cast %get3A_47 : vector<16xi32> to vector<16xi32>
    %get3A_49 = arith.constant 16 : index
    %get3A_50 = tpu.vector_load %arg7[%get3A_49] {strides = array<i32>} : memref<256xi32, #tpu.memory_space<vmem>>, vector<16xi32>,
    %get3A_51 = vector.shape_cast %get3A_50 : vector<16xi32> to vector<16xi32>
    %shift_right_arithmetic3A_52 = arith.constant 7 : i32
    %shift_right_arithmetic3A_53 = vector.broadcast %shift_right_arithmetic3A_52 : i32 to vector<16xi32>
    %shift_right_arithmetic3A_54 = arith.shrsi %get3A_51, %shift_right_arithmetic3A_53 : vector<16xi32>
    %shift_left3A_55 = arith.constant 16 : i32
    %shift_left3A_56 = vector.broadcast %shift_left3A_55 : i32 to vector<16xi32>
    %shift_left3A_57 = arith.shli %shift_right_arithmetic3A_54, %shift_left3A_56 : vector<16xi32>
    %shift_left3A_58 = arith.constant 7 : i32
    %shift_left3A_59 = vector.broadcast %shift_left3A_58 : i32 to vector<16xi32>
    %shift_left3A_60 = arith.shli %get3A_48, %shift_left3A_59 : vector<16xi32>
    %add3A_61 = arith.addi %shift_left3A_57, %shift_left3A_60 : vector<16xi32>
    %and3A_62 = arith.constant 127 : i32
    %and3A_63 = vector.broadcast %and3A_62 : i32 to vector<16xi32>
    %and3A_64 = arith.andi %get3A_51, %and3A_63 : vector<16xi32>
    %add3A_65 = arith.addi %add3A_61, %and3A_64 : vector<16xi32>
    %add3A_66 = arith.constant 16 : i32
    %add3A_67 = arith.addi %multiple_of3A, %add3A_66 : i32
    %add3A_68 = vector.broadcast %add3A_67 : i32 to vector<16xi32>
    %add3A_69 = arith.addi %add3A_68, %iota3A : vector<16xi32>
    %ge3A_70 = vector.broadcast %mul3A_9 : i32 to vector<16xi32>
    %ge3A_71 = arith.cmpi sge, %add3A_69, %ge3A_70 : vector<16xi32>
    %add3A_72 = arith.constant 250 : i32
    %add3A_73 = arith.addi %mul3A_9, %add3A_72 : i32
    %lt3A_74 = vector.broadcast %add3A_73 : i32 to vector<16xi32>
    %lt3A_75 = arith.cmpi slt, %add3A_69, %lt3A_74 : vector<16xi32>
    %and3A_76 = arith.andi %ge3A_71, %lt3A_75 : vector<16xi1>
    %jit3A_77 = arith.constant 1.000000e+00 : f32
    %jit3A_78 = arith.constant 0.000000e+00 : f32
    %broadcast_in_dim3A_79 = vector.broadcast %jit3A_77 : f32 to vector<16xf32>
    %broadcast_in_dim3A_80 = vector.broadcast %jit3A_78 : f32 to vector<16xf32>
    %select_n3A_81 = arith.select %and3A_76, %broadcast_in_dim3A_79, %broadcast_in_dim3A_80 : vector<16xi1>, vector<16xf32>
    %swap3A_82 = arith.constant 16 : index
    %swap3A_83 = tpu.vector_load %arg8[%swap3A_82] {strides = array<i32>} : memref<128xi32, #tpu.memory_space<vmem>>, vector<16xi32>,
    %swap3A_84 = vector.shape_cast %swap3A_83 : vector<16xi32> to vector<16xi32>
    %swap3A_85 = vector.shape_cast %add3A_65 : vector<16xi32> to vector<16xi32>
    tpu.vector_store %arg8[%swap3A_82], %swap3A_85 {strides = array<i32>} : memref<128xi32, #tpu.memory_space<vmem>>, vector<16xi32>,
    %swap3A_86 = arith.constant 16 : index
    %swap3A_87 = tpu.vector_load %arg10[%swap3A_86] {strides = array<i32>} : memref<128xf32, #tpu.memory_space<vmem>>, vector<16xf32>,
    %swap3A_88 = vector.shape_cast %swap3A_87 : vector<16xf32> to vector<16xf32>
    %swap3A_89 = vector.shape_cast %select_n3A_81 : vector<16xf32> to vector<16xf32>
    tpu.vector_store %arg10[%swap3A_86], %swap3A_89 {strides = array<i32>} : memref<128xf32, #tpu.memory_space<vmem>>, vector<16xf32>,
    %get3A_90 = arith.constant 32 : index
    %get3A_91 = tpu.vector_load %arg6[%get3A_90] {strides = array<i32>} : memref<256xi32, #tpu.memory_space<vmem>>, vector<16xi32>,
    %get3A_92 = vector.shape_cast %get3A_91 : vector<16xi32> to vector<16xi32>
    %get3A_93 = arith.constant 32 : index
    %get3A_94 = tpu.vector_load %arg7[%get3A_93] {strides = array<i32>} : memref<256xi32, #tpu.memory_space<vmem>>, vector<16xi32>,
    %get3A_95 = vector.shape_cast %get3A_94 : vector<16xi32> to vector<16xi32>
    %shift_right_arithmetic3A_96 = arith.constant 7 : i32
    %shift_right_arithmetic3A_97 = vector.broadcast %shift_right_arithmetic3A_96 : i32 to vector<16xi32>
    %shift_right_arithmetic3A_98 = arith.shrsi %get3A_95, %shift_right_arithmetic3A_97 : vector<16xi32>
    %shift_left3A_99 = arith.constant 16 : i32
    %shift_left3A_100 = vector.broadcast %shift_left3A_99 : i32 to vector<16xi32>
    %shift_left3A_101 = arith.shli %shift_right_arithmetic3A_98, %shift_left3A_100 : vector<16xi32>
    %shift_left3A_102 = arith.constant 7 : i32
    %shift_left3A_103 = vector.broadcast %shift_left3A_102 : i32 to vector<16xi32>
    %shift_left3A_104 = arith.shli %get3A_92, %shift_left3A_103 : vector<16xi32>
    %add3A_105 = arith.addi %shift_left3A_101, %shift_left3A_104 : vector<16xi32>
    %and3A_106 = arith.constant 127 : i32
    %and3A_107 = vector.broadcast %and3A_106 : i32 to vector<16xi32>
    %and3A_108 = arith.andi %get3A_95, %and3A_107 : vector<16xi32>
    %add3A_109 = arith.addi %add3A_105, %and3A_108 : vector<16xi32>
    %add3A_110 = arith.constant 32 : i32
    %add3A_111 = arith.addi %multiple_of3A, %add3A_110 : i32
    %add3A_112 = vector.broadcast %add3A_111 : i32 to vector<16xi32>
    %add3A_113 = arith.addi %add3A_112, %iota3A : vector<16xi32>
    %ge3A_114 = vector.broadcast %mul3A_9 : i32 to vector<16xi32>
    %ge3A_115 = arith.cmpi sge, %add3A_113, %ge3A_114 : vector<16xi32>
    %add3A_116 = arith.constant 250 : i32
    %add3A_117 = arith.addi %mul3A_9, %add3A_116 : i32
    %lt3A_118 = vector.broadcast %add3A_117 : i32 to vector<16xi32>
    %lt3A_119 = arith.cmpi slt, %add3A_113, %lt3A_118 : vector<16xi32>
    %and3A_120 = arith.andi %ge3A_115, %lt3A_119 : vector<16xi1>
    %jit3A_121 = arith.constant 1.000000e+00 : f32
    %jit3A_122 = arith.constant 0.000000e+00 : f32
    %broadcast_in_dim3A_123 = vector.broadcast %jit3A_121 : f32 to vector<16xf32>
    %broadcast_in_dim3A_124 = vector.broadcast %jit3A_122 : f32 to vector<16xf32>
    %select_n3A_125 = arith.select %and3A_120, %broadcast_in_dim3A_123, %broadcast_in_dim3A_124 : vector<16xi1>, vector<16xf32>
    %swap3A_126 = arith.constant 32 : index
    %swap3A_127 = tpu.vector_load %arg8[%swap3A_126] {strides = array<i32>} : memref<128xi32, #tpu.memory_space<vmem>>, vector<16xi32>,
    %swap3A_128 = vector.shape_cast %swap3A_127 : vector<16xi32> to vector<16xi32>
    %swap3A_129 = vector.shape_cast %add3A_109 : vector<16xi32> to vector<16xi32>
    tpu.vector_store %arg8[%swap3A_126], %swap3A_129 {strides = array<i32>} : memref<128xi32, #tpu.memory_space<vmem>>, vector<16xi32>,
    %swap3A_130 = arith.constant 32 : index
    %swap3A_131 = tpu.vector_load %arg10[%swap3A_130] {strides = array<i32>} : memref<128xf32, #tpu.memory_space<vmem>>, vector<16xf32>,
    %swap3A_132 = vector.shape_cast %swap3A_131 : vector<16xf32> to vector<16xf32>
    %swap3A_133 = vector.shape_cast %select_n3A_125 : vector<16xf32> to vector<16xf32>
    tpu.vector_store %arg10[%swap3A_130], %swap3A_133 {strides = array<i32>} : memref<128xf32, #tpu.memory_space<vmem>>, vector<16xf32>,
    %get3A_134 = arith.constant 48 : index
    %get3A_135 = tpu.vector_load %arg6[%get3A_134] {strides = array<i32>} : memref<256xi32, #tpu.memory_space<vmem>>, vector<16xi32>,
    %get3A_136 = vector.shape_cast %get3A_135 : vector<16xi32> to vector<16xi32>
    %get3A_137 = arith.constant 48 : index
    %get3A_138 = tpu.vector_load %arg7[%get3A_137] {strides = array<i32>} : memref<256xi32, #tpu.memory_space<vmem>>, vector<16xi32>,
    %get3A_139 = vector.shape_cast %get3A_138 : vector<16xi32> to vector<16xi32>
    %shift_right_arithmetic3A_140 = arith.constant 7 : i32
    %shift_right_arithmetic3A_141 = vector.broadcast %shift_right_arithmetic3A_140 : i32 to vector<16xi32>
    %shift_right_arithmetic3A_142 = arith.shrsi %get3A_139, %shift_right_arithmetic3A_141 : vector<16xi32>
    %shift_left3A_143 = arith.constant 16 : i32
    %shift_left3A_144 = vector.broadcast %shift_left3A_143 : i32 to vector<16xi32>
    %shift_left3A_145 = arith.shli %shift_right_arithmetic3A_142, %shift_left3A_144 : vector<16xi32>
    %shift_left3A_146 = arith.constant 7 : i32
    %shift_left3A_147 = vector.broadcast %shift_left3A_146 : i32 to vector<16xi32>
    %shift_left3A_148 = arith.shli %get3A_136, %shift_left3A_147 : vector<16xi32>
    %add3A_149 = arith.addi %shift_left3A_145, %shift_left3A_148 : vector<16xi32>
    %and3A_150 = arith.constant 127 : i32
    %and3A_151 = vector.broadcast %and3A_150 : i32 to vector<16xi32>
    %and3A_152 = arith.andi %get3A_139, %and3A_151 : vector<16xi32>
    %add3A_153 = arith.addi %add3A_149, %and3A_152 : vector<16xi32>
    %add3A_154 = arith.constant 48 : i32
    %add3A_155 = arith.addi %multiple_of3A, %add3A_154 : i32
    %add3A_156 = vector.broadcast %add3A_155 : i32 to vector<16xi32>
    %add3A_157 = arith.addi %add3A_156, %iota3A : vector<16xi32>
    %ge3A_158 = vector.broadcast %mul3A_9 : i32 to vector<16xi32>
    %ge3A_159 = arith.cmpi sge, %add3A_157, %ge3A_158 : vector<16xi32>
    %add3A_160 = arith.constant 250 : i32
    %add3A_161 = arith.addi %mul3A_9, %add3A_160 : i32
    %lt3A_162 = vector.broadcast %add3A_161 : i32 to vector<16xi32>
    %lt3A_163 = arith.cmpi slt, %add3A_157, %lt3A_162 : vector<16xi32>
    %and3A_164 = arith.andi %ge3A_159, %lt3A_163 : vector<16xi1>
    %jit3A_165 = arith.constant 1.000000e+00 : f32
    %jit3A_166 = arith.constant 0.000000e+00 : f32
    %broadcast_in_dim3A_167 = vector.broadcast %jit3A_165 : f32 to vector<16xf32>
    %broadcast_in_dim3A_168 = vector.broadcast %jit3A_166 : f32 to vector<16xf32>
    %select_n3A_169 = arith.select %and3A_164, %broadcast_in_dim3A_167, %broadcast_in_dim3A_168 : vector<16xi1>, vector<16xf32>
    %swap3A_170 = arith.constant 48 : index
    %swap3A_171 = tpu.vector_load %arg8[%swap3A_170] {strides = array<i32>} : memref<128xi32, #tpu.memory_space<vmem>>, vector<16xi32>,
    %swap3A_172 = vector.shape_cast %swap3A_171 : vector<16xi32> to vector<16xi32>
    %swap3A_173 = vector.shape_cast %add3A_153 : vector<16xi32> to vector<16xi32>
    tpu.vector_store %arg8[%swap3A_170], %swap3A_173 {strides = array<i32>} : memref<128xi32, #tpu.memory_space<vmem>>, vector<16xi32>,
    %swap3A_174 = arith.constant 48 : index
    %swap3A_175 = tpu.vector_load %arg10[%swap3A_174] {strides = array<i32>} : memref<128xf32, #tpu.memory_space<vmem>>, vector<16xf32>,
    %swap3A_176 = vector.shape_cast %swap3A_175 : vector<16xf32> to vector<16xf32>
    %swap3A_177 = vector.shape_cast %select_n3A_169 : vector<16xf32> to vector<16xf32>
    tpu.vector_store %arg10[%swap3A_174], %swap3A_177 {strides = array<i32>} : memref<128xf32, #tpu.memory_space<vmem>>, vector<16xf32>,
    %get3A_178 = arith.constant 64 : index
    %get3A_179 = tpu.vector_load %arg6[%get3A_178] {strides = array<i32>} : memref<256xi32, #tpu.memory_space<vmem>>, vector<16xi32>,
    %get3A_180 = vector.shape_cast %get3A_179 : vector<16xi32> to vector<16xi32>
    %get3A_181 = arith.constant 64 : index
    %get3A_182 = tpu.vector_load %arg7[%get3A_181] {strides = array<i32>} : memref<256xi32, #tpu.memory_space<vmem>>, vector<16xi32>,
    %get3A_183 = vector.shape_cast %get3A_182 : vector<16xi32> to vector<16xi32>
    %shift_right_arithmetic3A_184 = arith.constant 7 : i32
    %shift_right_arithmetic3A_185 = vector.broadcast %shift_right_arithmetic3A_184 : i32 to vector<16xi32>
    %shift_right_arithmetic3A_186 = arith.shrsi %get3A_183, %shift_right_arithmetic3A_185 : vector<16xi32>
    %shift_left3A_187 = arith.constant 16 : i32
    %shift_left3A_188 = vector.broadcast %shift_left3A_187 : i32 to vector<16xi32>
    %shift_left3A_189 = arith.shli %shift_right_arithmetic3A_186, %shift_left3A_188 : vector<16xi32>
    %shift_left3A_190 = arith.constant 7 : i32
    %shift_left3A_191 = vector.broadcast %shift_left3A_190 : i32 to vector<16xi32>
    %shift_left3A_192 = arith.shli %get3A_180, %shift_left3A_191 : vector<16xi32>
    %add3A_193 = arith.addi %shift_left3A_189, %shift_left3A_192 : vector<16xi32>
    %and3A_194 = arith.constant 127 : i32
    %and3A_195 = vector.broadcast %and3A_194 : i32 to vector<16xi32>
    %and3A_196 = arith.andi %get3A_183, %and3A_195 : vector<16xi32>
    %add3A_197 = arith.addi %add3A_193, %and3A_196 : vector<16xi32>
    %add3A_198 = arith.constant 64 : i32
    %add3A_199 = arith.addi %multiple_of3A, %add3A_198 : i32
    %add3A_200 = vector.broadcast %add3A_199 : i32 to vector<16xi32>
    %add3A_201 = arith.addi %add3A_200, %iota3A : vector<16xi32>
    %ge3A_202 = vector.broadcast %mul3A_9 : i32 to vector<16xi32>
    %ge3A_203 = arith.cmpi sge, %add3A_201, %ge3A_202 : vector<16xi32>
    %add3A_204 = arith.constant 250 : i32
    %add3A_205 = arith.addi %mul3A_9, %add3A_204 : i32
    %lt3A_206 = vector.broadcast %add3A_205 : i32 to vector<16xi32>
    %lt3A_207 = arith.cmpi slt, %add3A_201, %lt3A_206 : vector<16xi32>
    %and3A_208 = arith.andi %ge3A_203, %lt3A_207 : vector<16xi1>
    %jit3A_209 = arith.constant 1.000000e+00 : f32
    %jit3A_210 = arith.constant 0.000000e+00 : f32
    %broadcast_in_dim3A_211 = vector.broadcast %jit3A_209 : f32 to vector<16xf32>
    %broadcast_in_dim3A_212 = vector.broadcast %jit3A_210 : f32 to vector<16xf32>
    %select_n3A_213 = arith.select %and3A_208, %broadcast_in_dim3A_211, %broadcast_in_dim3A_212 : vector<16xi1>, vector<16xf32>
    %swap3A_214 = arith.constant 64 : index
    %swap3A_215 = tpu.vector_load %arg8[%swap3A_214] {strides = array<i32>} : memref<128xi32, #tpu.memory_space<vmem>>, vector<16xi32>,
    %swap3A_216 = vector.shape_cast %swap3A_215 : vector<16xi32> to vector<16xi32>
    %swap3A_217 = vector.shape_cast %add3A_197 : vector<16xi32> to vector<16xi32>
    tpu.vector_store %arg8[%swap3A_214], %swap3A_217 {strides = array<i32>} : memref<128xi32, #tpu.memory_space<vmem>>, vector<16xi32>,
    %swap3A_218 = arith.constant 64 : index
    %swap3A_219 = tpu.vector_load %arg10[%swap3A_218] {strides = array<i32>} : memref<128xf32, #tpu.memory_space<vmem>>, vector<16xf32>,
    %swap3A_220 = vector.shape_cast %swap3A_219 : vector<16xf32> to vector<16xf32>
    %swap3A_221 = vector.shape_cast %select_n3A_213 : vector<16xf32> to vector<16xf32>
    tpu.vector_store %arg10[%swap3A_218], %swap3A_221 {strides = array<i32>} : memref<128xf32, #tpu.memory_space<vmem>>, vector<16xf32>,
    %get3A_222 = arith.constant 80 : index
    %get3A_223 = tpu.vector_load %arg6[%get3A_222] {strides = array<i32>} : memref<256xi32, #tpu.memory_space<vmem>>, vector<16xi32>,
    %get3A_224 = vector.shape_cast %get3A_223 : vector<16xi32> to vector<16xi32>
    %get3A_225 = arith.constant 80 : index
    %get3A_226 = tpu.vector_load %arg7[%get3A_225] {strides = array<i32>} : memref<256xi32, #tpu.memory_space<vmem>>, vector<16xi32>,
    %get3A_227 = vector.shape_cast %get3A_226 : vector<16xi32> to vector<16xi32>
    %shift_right_arithmetic3A_228 = arith.constant 7 : i32
    %shift_right_arithmetic3A_229 = vector.broadcast %shift_right_arithmetic3A_228 : i32 to vector<16xi32>
    %shift_right_arithmetic3A_230 = arith.shrsi %get3A_227, %shift_right_arithmetic3A_229 : vector<16xi32>
    %shift_left3A_231 = arith.constant 16 : i32
    %shift_left3A_232 = vector.broadcast %shift_left3A_231 : i32 to vector<16xi32>
    %shift_left3A_233 = arith.shli %shift_right_arithmetic3A_230, %shift_left3A_232 : vector<16xi32>
    %shift_left3A_234 = arith.constant 7 : i32
    %shift_left3A_235 = vector.broadcast %shift_left3A_234 : i32 to vector<16xi32>
    %shift_left3A_236 = arith.shli %get3A_224, %shift_left3A_235 : vector<16xi32>
    %add3A_237 = arith.addi %shift_left3A_233, %shift_left3A_236 : vector<16xi32>
    %and3A_238 = arith.constant 127 : i32
    %and3A_239 = vector.broadcast %and3A_238 : i32 to vector<16xi32>
    %and3A_240 = arith.andi %get3A_227, %and3A_239 : vector<16xi32>
    %add3A_241 = arith.addi %add3A_237, %and3A_240 : vector<16xi32>
    %add3A_242 = arith.constant 80 : i32
    %add3A_243 = arith.addi %multiple_of3A, %add3A_242 : i32
    %add3A_244 = vector.broadcast %add3A_243 : i32 to vector<16xi32>
    %add3A_245 = arith.addi %add3A_244, %iota3A : vector<16xi32>
    %ge3A_246 = vector.broadcast %mul3A_9 : i32 to vector<16xi32>
    %ge3A_247 = arith.cmpi sge, %add3A_245, %ge3A_246 : vector<16xi32>
    %add3A_248 = arith.constant 250 : i32
    %add3A_249 = arith.addi %mul3A_9, %add3A_248 : i32
    %lt3A_250 = vector.broadcast %add3A_249 : i32 to vector<16xi32>
    %lt3A_251 = arith.cmpi slt, %add3A_245, %lt3A_250 : vector<16xi32>
    %and3A_252 = arith.andi %ge3A_247, %lt3A_251 : vector<16xi1>
    %jit3A_253 = arith.constant 1.000000e+00 : f32
    %jit3A_254 = arith.constant 0.000000e+00 : f32
    %broadcast_in_dim3A_255 = vector.broadcast %jit3A_253 : f32 to vector<16xf32>
    %broadcast_in_dim3A_256 = vector.broadcast %jit3A_254 : f32 to vector<16xf32>
    %select_n3A_257 = arith.select %and3A_252, %broadcast_in_dim3A_255, %broadcast_in_dim3A_256 : vector<16xi1>, vector<16xf32>
    %swap3A_258 = arith.constant 80 : index
    %swap3A_259 = tpu.vector_load %arg8[%swap3A_258] {strides = array<i32>} : memref<128xi32, #tpu.memory_space<vmem>>, vector<16xi32>,
    %swap3A_260 = vector.shape_cast %swap3A_259 : vector<16xi32> to vector<16xi32>
    %swap3A_261 = vector.shape_cast %add3A_241 : vector<16xi32> to vector<16xi32>
    tpu.vector_store %arg8[%swap3A_258], %swap3A_261 {strides = array<i32>} : memref<128xi32, #tpu.memory_space<vmem>>, vector<16xi32>,
    %swap3A_262 = arith.constant 80 : index
    %swap3A_263 = tpu.vector_load %arg10[%swap3A_262] {strides = array<i32>} : memref<128xf32, #tpu.memory_space<vmem>>, vector<16xf32>,
    %swap3A_264 = vector.shape_cast %swap3A_263 : vector<16xf32> to vector<16xf32>
    %swap3A_265 = vector.shape_cast %select_n3A_257 : vector<16xf32> to vector<16xf32>
    tpu.vector_store %arg10[%swap3A_262], %swap3A_265 {strides = array<i32>} : memref<128xf32, #tpu.memory_space<vmem>>, vector<16xf32>,
    %get3A_266 = arith.constant 96 : index
    %get3A_267 = tpu.vector_load %arg6[%get3A_266] {strides = array<i32>} : memref<256xi32, #tpu.memory_space<vmem>>, vector<16xi32>,
    %get3A_268 = vector.shape_cast %get3A_267 : vector<16xi32> to vector<16xi32>
    %get3A_269 = arith.constant 96 : index
    %get3A_270 = tpu.vector_load %arg7[%get3A_269] {strides = array<i32>} : memref<256xi32, #tpu.memory_space<vmem>>, vector<16xi32>,
    %get3A_271 = vector.shape_cast %get3A_270 : vector<16xi32> to vector<16xi32>
    %shift_right_arithmetic3A_272 = arith.constant 7 : i32
    %shift_right_arithmetic3A_273 = vector.broadcast %shift_right_arithmetic3A_272 : i32 to vector<16xi32>
    %shift_right_arithmetic3A_274 = arith.shrsi %get3A_271, %shift_right_arithmetic3A_273 : vector<16xi32>
    %shift_left3A_275 = arith.constant 16 : i32
    %shift_left3A_276 = vector.broadcast %shift_left3A_275 : i32 to vector<16xi32>
    %shift_left3A_277 = arith.shli %shift_right_arithmetic3A_274, %shift_left3A_276 : vector<16xi32>
    %shift_left3A_278 = arith.constant 7 : i32
    %shift_left3A_279 = vector.broadcast %shift_left3A_278 : i32 to vector<16xi32>
    %shift_left3A_280 = arith.shli %get3A_268, %shift_left3A_279 : vector<16xi32>
    %add3A_281 = arith.addi %shift_left3A_277, %shift_left3A_280 : vector<16xi32>
    %and3A_282 = arith.constant 127 : i32
    %and3A_283 = vector.broadcast %and3A_282 : i32 to vector<16xi32>
    %and3A_284 = arith.andi %get3A_271, %and3A_283 : vector<16xi32>
    %add3A_285 = arith.addi %add3A_281, %and3A_284 : vector<16xi32>
    %add3A_286 = arith.constant 96 : i32
    %add3A_287 = arith.addi %multiple_of3A, %add3A_286 : i32
    %add3A_288 = vector.broadcast %add3A_287 : i32 to vector<16xi32>
    %add3A_289 = arith.addi %add3A_288, %iota3A : vector<16xi32>
    %ge3A_290 = vector.broadcast %mul3A_9 : i32 to vector<16xi32>
    %ge3A_291 = arith.cmpi sge, %add3A_289, %ge3A_290 : vector<16xi32>
    %add3A_292 = arith.constant 250 : i32
    %add3A_293 = arith.addi %mul3A_9, %add3A_292 : i32
    %lt3A_294 = vector.broadcast %add3A_293 : i32 to vector<16xi32>
    %lt3A_295 = arith.cmpi slt, %add3A_289, %lt3A_294 : vector<16xi32>
    %and3A_296 = arith.andi %ge3A_291, %lt3A_295 : vector<16xi1>
    %jit3A_297 = arith.constant 1.000000e+00 : f32
    %jit3A_298 = arith.constant 0.000000e+00 : f32
    %broadcast_in_dim3A_299 = vector.broadcast %jit3A_297 : f32 to vector<16xf32>
    %broadcast_in_dim3A_300 = vector.broadcast %jit3A_298 : f32 to vector<16xf32>
    %select_n3A_301 = arith.select %and3A_296, %broadcast_in_dim3A_299, %broadcast_in_dim3A_300 : vector<16xi1>, vector<16xf32>
    %swap3A_302 = arith.constant 96 : index
    %swap3A_303 = tpu.vector_load %arg8[%swap3A_302] {strides = array<i32>} : memref<128xi32, #tpu.memory_space<vmem>>, vector<16xi32>,
    %swap3A_304 = vector.shape_cast %swap3A_303 : vector<16xi32> to vector<16xi32>
    %swap3A_305 = vector.shape_cast %add3A_285 : vector<16xi32> to vector<16xi32>
    tpu.vector_store %arg8[%swap3A_302], %swap3A_305 {strides = array<i32>} : memref<128xi32, #tpu.memory_space<vmem>>, vector<16xi32>,
    %swap3A_306 = arith.constant 96 : index
    %swap3A_307 = tpu.vector_load %arg10[%swap3A_306] {strides = array<i32>} : memref<128xf32, #tpu.memory_space<vmem>>, vector<16xf32>,
    %swap3A_308 = vector.shape_cast %swap3A_307 : vector<16xf32> to vector<16xf32>
    %swap3A_309 = vector.shape_cast %select_n3A_301 : vector<16xf32> to vector<16xf32>
    tpu.vector_store %arg10[%swap3A_306], %swap3A_309 {strides = array<i32>} : memref<128xf32, #tpu.memory_space<vmem>>, vector<16xf32>,
    %get3A_310 = arith.constant 112 : index
    %get3A_311 = tpu.vector_load %arg6[%get3A_310] {strides = array<i32>} : memref<256xi32, #tpu.memory_space<vmem>>, vector<16xi32>,
    %get3A_312 = vector.shape_cast %get3A_311 : vector<16xi32> to vector<16xi32>
    %get3A_313 = arith.constant 112 : index
    %get3A_314 = tpu.vector_load %arg7[%get3A_313] {strides = array<i32>} : memref<256xi32, #tpu.memory_space<vmem>>, vector<16xi32>,
    %get3A_315 = vector.shape_cast %get3A_314 : vector<16xi32> to vector<16xi32>
    %shift_right_arithmetic3A_316 = arith.constant 7 : i32
    %shift_right_arithmetic3A_317 = vector.broadcast %shift_right_arithmetic3A_316 : i32 to vector<16xi32>
    %shift_right_arithmetic3A_318 = arith.shrsi %get3A_315, %shift_right_arithmetic3A_317 : vector<16xi32>
    %shift_left3A_319 = arith.constant 16 : i32
    %shift_left3A_320 = vector.broadcast %shift_left3A_319 : i32 to vector<16xi32>
    %shift_left3A_321 = arith.shli %shift_right_arithmetic3A_318, %shift_left3A_320 : vector<16xi32>
    %shift_left3A_322 = arith.constant 7 : i32
    %shift_left3A_323 = vector.broadcast %shift_left3A_322 : i32 to vector<16xi32>
    %shift_left3A_324 = arith.shli %get3A_312, %shift_left3A_323 : vector<16xi32>
    %add3A_325 = arith.addi %shift_left3A_321, %shift_left3A_324 : vector<16xi32>
    %and3A_326 = arith.constant 127 : i32
    %and3A_327 = vector.broadcast %and3A_326 : i32 to vector<16xi32>
    %and3A_328 = arith.andi %get3A_315, %and3A_327 : vector<16xi32>
    %add3A_329 = arith.addi %add3A_325, %and3A_328 : vector<16xi32>
    %add3A_330 = arith.constant 112 : i32
    %add3A_331 = arith.addi %multiple_of3A, %add3A_330 : i32
    %add3A_332 = vector.broadcast %add3A_331 : i32 to vector<16xi32>
    %add3A_333 = arith.addi %add3A_332, %iota3A : vector<16xi32>
    %ge3A_334 = vector.broadcast %mul3A_9 : i32 to vector<16xi32>
    %ge3A_335 = arith.cmpi sge, %add3A_333, %ge3A_334 : vector<16xi32>
    %add3A_336 = arith.constant 250 : i32
    %add3A_337 = arith.addi %mul3A_9, %add3A_336 : i32
    %lt3A_338 = vector.broadcast %add3A_337 : i32 to vector<16xi32>
    %lt3A_339 = arith.cmpi slt, %add3A_333, %lt3A_338 : vector<16xi32>
    %and3A_340 = arith.andi %ge3A_335, %lt3A_339 : vector<16xi1>
    %jit3A_341 = arith.constant 1.000000e+00 : f32
    %jit3A_342 = arith.constant 0.000000e+00 : f32
    %broadcast_in_dim3A_343 = vector.broadcast %jit3A_341 : f32 to vector<16xf32>
    %broadcast_in_dim3A_344 = vector.broadcast %jit3A_342 : f32 to vector<16xf32>
    %select_n3A_345 = arith.select %and3A_340, %broadcast_in_dim3A_343, %broadcast_in_dim3A_344 : vector<16xi1>, vector<16xf32>
    %swap3A_346 = arith.constant 112 : index
    %swap3A_347 = tpu.vector_load %arg8[%swap3A_346] {strides = array<i32>} : memref<128xi32, #tpu.memory_space<vmem>>, vector<16xi32>,
    %swap3A_348 = vector.shape_cast %swap3A_347 : vector<16xi32> to vector<16xi32>
    %swap3A_349 = vector.shape_cast %add3A_329 : vector<16xi32> to vector<16xi32>
    tpu.vector_store %arg8[%swap3A_346], %swap3A_349 {strides = array<i32>} : memref<128xi32, #tpu.memory_space<vmem>>, vector<16xi32>,
    %swap3A_350 = arith.constant 112 : index
    %swap3A_351 = tpu.vector_load %arg10[%swap3A_350] {strides = array<i32>} : memref<128xf32, #tpu.memory_space<vmem>>, vector<16xf32>,
    %swap3A_352 = vector.shape_cast %swap3A_351 : vector<16xf32> to vector<16xf32>
    %swap3A_353 = vector.shape_cast %select_n3A_345 : vector<16xf32> to vector<16xf32>
    tpu.vector_store %arg10[%swap3A_350], %swap3A_353 {strides = array<i32>} : memref<128xf32, #tpu.memory_space<vmem>>, vector<16xf32>,
    %get3A_354 = arith.constant 128 : index
    %get3A_355 = tpu.vector_load %arg6[%get3A_354] {strides = array<i32>} : memref<256xi32, #tpu.memory_space<vmem>>, vector<16xi32>,
    %get3A_356 = vector.shape_cast %get3A_355 : vector<16xi32> to vector<16xi32>
    %get3A_357 = arith.constant 128 : index
    %get3A_358 = tpu.vector_load %arg7[%get3A_357] {strides = array<i32>} : memref<256xi32, #tpu.memory_space<vmem>>, vector<16xi32>,
    %get3A_359 = vector.shape_cast %get3A_358 : vector<16xi32> to vector<16xi32>
    %shift_right_arithmetic3A_360 = arith.constant 7 : i32
    %shift_right_arithmetic3A_361 = vector.broadcast %shift_right_arithmetic3A_360 : i32 to vector<16xi32>
    %shift_right_arithmetic3A_362 = arith.shrsi %get3A_359, %shift_right_arithmetic3A_361 : vector<16xi32>
    %shift_left3A_363 = arith.constant 16 : i32
    %shift_left3A_364 = vector.broadcast %shift_left3A_363 : i32 to vector<16xi32>
    %shift_left3A_365 = arith.shli %shift_right_arithmetic3A_362, %shift_left3A_364 : vector<16xi32>
    %shift_left3A_366 = arith.constant 7 : i32
    %shift_left3A_367 = vector.broadcast %shift_left3A_366 : i32 to vector<16xi32>
    %shift_left3A_368 = arith.shli %get3A_356, %shift_left3A_367 : vector<16xi32>
    %add3A_369 = arith.addi %shift_left3A_365, %shift_left3A_368 : vector<16xi32>
    %and3A_370 = arith.constant 127 : i32
    %and3A_371 = vector.broadcast %and3A_370 : i32 to vector<16xi32>
    %and3A_372 = arith.andi %get3A_359, %and3A_371 : vector<16xi32>
    %add3A_373 = arith.addi %add3A_369, %and3A_372 : vector<16xi32>
    %add3A_374 = arith.constant 128 : i32
    %add3A_375 = arith.addi %multiple_of3A, %add3A_374 : i32
    %add3A_376 = vector.broadcast %add3A_375 : i32 to vector<16xi32>
    %add3A_377 = arith.addi %add3A_376, %iota3A : vector<16xi32>
    %ge3A_378 = vector.broadcast %mul3A_9 : i32 to vector<16xi32>
    %ge3A_379 = arith.cmpi sge, %add3A_377, %ge3A_378 : vector<16xi32>
    %add3A_380 = arith.constant 250 : i32
    %add3A_381 = arith.addi %mul3A_9, %add3A_380 : i32
    %lt3A_382 = vector.broadcast %add3A_381 : i32 to vector<16xi32>
    %lt3A_383 = arith.cmpi slt, %add3A_377, %lt3A_382 : vector<16xi32>
    %and3A_384 = arith.andi %ge3A_379, %lt3A_383 : vector<16xi1>
    %jit3A_385 = arith.constant 1.000000e+00 : f32
    %jit3A_386 = arith.constant 0.000000e+00 : f32
    %broadcast_in_dim3A_387 = vector.broadcast %jit3A_385 : f32 to vector<16xf32>
    %broadcast_in_dim3A_388 = vector.broadcast %jit3A_386 : f32 to vector<16xf32>
    %select_n3A_389 = arith.select %and3A_384, %broadcast_in_dim3A_387, %broadcast_in_dim3A_388 : vector<16xi1>, vector<16xf32>
    %swap3A_390 = arith.constant 0 : index
    %swap3A_391 = tpu.vector_load %arg9[%swap3A_390] {strides = array<i32>} : memref<128xi32, #tpu.memory_space<vmem>>, vector<16xi32>,
    %swap3A_392 = vector.shape_cast %swap3A_391 : vector<16xi32> to vector<16xi32>
    %swap3A_393 = vector.shape_cast %add3A_373 : vector<16xi32> to vector<16xi32>
    tpu.vector_store %arg9[%swap3A_390], %swap3A_393 {strides = array<i32>} : memref<128xi32, #tpu.memory_space<vmem>>, vector<16xi32>,
    %swap3A_394 = arith.constant 0 : index
    %swap3A_395 = tpu.vector_load %arg11[%swap3A_394] {strides = array<i32>} : memref<128xf32, #tpu.memory_space<vmem>>, vector<16xf32>,
    %swap3A_396 = vector.shape_cast %swap3A_395 : vector<16xf32> to vector<16xf32>
    %swap3A_397 = vector.shape_cast %select_n3A_389 : vector<16xf32> to vector<16xf32>
    tpu.vector_store %arg11[%swap3A_394], %swap3A_397 {strides = array<i32>} : memref<128xf32, #tpu.memory_space<vmem>>, vector<16xf32>,
    %get3A_398 = arith.constant 144 : index
    %get3A_399 = tpu.vector_load %arg6[%get3A_398] {strides = array<i32>} : memref<256xi32, #tpu.memory_space<vmem>>, vector<16xi32>,
    %get3A_400 = vector.shape_cast %get3A_399 : vector<16xi32> to vector<16xi32>
    %get3A_401 = arith.constant 144 : index
    %get3A_402 = tpu.vector_load %arg7[%get3A_401] {strides = array<i32>} : memref<256xi32, #tpu.memory_space<vmem>>, vector<16xi32>,
    %get3A_403 = vector.shape_cast %get3A_402 : vector<16xi32> to vector<16xi32>
    %shift_right_arithmetic3A_404 = arith.constant 7 : i32
    %shift_right_arithmetic3A_405 = vector.broadcast %shift_right_arithmetic3A_404 : i32 to vector<16xi32>
    %shift_right_arithmetic3A_406 = arith.shrsi %get3A_403, %shift_right_arithmetic3A_405 : vector<16xi32>
    %shift_left3A_407 = arith.constant 16 : i32
    %shift_left3A_408 = vector.broadcast %shift_left3A_407 : i32 to vector<16xi32>
    %shift_left3A_409 = arith.shli %shift_right_arithmetic3A_406, %shift_left3A_408 : vector<16xi32>
    %shift_left3A_410 = arith.constant 7 : i32
    %shift_left3A_411 = vector.broadcast %shift_left3A_410 : i32 to vector<16xi32>
    %shift_left3A_412 = arith.shli %get3A_400, %shift_left3A_411 : vector<16xi32>
    %add3A_413 = arith.addi %shift_left3A_409, %shift_left3A_412 : vector<16xi32>
    %and3A_414 = arith.constant 127 : i32
    %and3A_415 = vector.broadcast %and3A_414 : i32 to vector<16xi32>
    %and3A_416 = arith.andi %get3A_403, %and3A_415 : vector<16xi32>
    %add3A_417 = arith.addi %add3A_413, %and3A_416 : vector<16xi32>
    %add3A_418 = arith.constant 144 : i32
    %add3A_419 = arith.addi %multiple_of3A, %add3A_418 : i32
    %add3A_420 = vector.broadcast %add3A_419 : i32 to vector<16xi32>
    %add3A_421 = arith.addi %add3A_420, %iota3A : vector<16xi32>
    %ge3A_422 = vector.broadcast %mul3A_9 : i32 to vector<16xi32>
    %ge3A_423 = arith.cmpi sge, %add3A_421, %ge3A_422 : vector<16xi32>
    %add3A_424 = arith.constant 250 : i32
    %add3A_425 = arith.addi %mul3A_9, %add3A_424 : i32
    %lt3A_426 = vector.broadcast %add3A_425 : i32 to vector<16xi32>
    %lt3A_427 = arith.cmpi slt, %add3A_421, %lt3A_426 : vector<16xi32>
    %and3A_428 = arith.andi %ge3A_423, %lt3A_427 : vector<16xi1>
    %jit3A_429 = arith.constant 1.000000e+00 : f32
    %jit3A_430 = arith.constant 0.000000e+00 : f32
    %broadcast_in_dim3A_431 = vector.broadcast %jit3A_429 : f32 to vector<16xf32>
    %broadcast_in_dim3A_432 = vector.broadcast %jit3A_430 : f32 to vector<16xf32>
    %select_n3A_433 = arith.select %and3A_428, %broadcast_in_dim3A_431, %broadcast_in_dim3A_432 : vector<16xi1>, vector<16xf32>
    %swap3A_434 = arith.constant 16 : index
    %swap3A_435 = tpu.vector_load %arg9[%swap3A_434] {strides = array<i32>} : memref<128xi32, #tpu.memory_space<vmem>>, vector<16xi32>,
    %swap3A_436 = vector.shape_cast %swap3A_435 : vector<16xi32> to vector<16xi32>
    %swap3A_437 = vector.shape_cast %add3A_417 : vector<16xi32> to vector<16xi32>
    tpu.vector_store %arg9[%swap3A_434], %swap3A_437 {strides = array<i32>} : memref<128xi32, #tpu.memory_space<vmem>>, vector<16xi32>,
    %swap3A_438 = arith.constant 16 : index
    %swap3A_439 = tpu.vector_load %arg11[%swap3A_438] {strides = array<i32>} : memref<128xf32, #tpu.memory_space<vmem>>, vector<16xf32>,
    %swap3A_440 = vector.shape_cast %swap3A_439 : vector<16xf32> to vector<16xf32>
    %swap3A_441 = vector.shape_cast %select_n3A_433 : vector<16xf32> to vector<16xf32>
    tpu.vector_store %arg11[%swap3A_438], %swap3A_441 {strides = array<i32>} : memref<128xf32, #tpu.memory_space<vmem>>, vector<16xf32>,
    %get3A_442 = arith.constant 160 : index
    %get3A_443 = tpu.vector_load %arg6[%get3A_442] {strides = array<i32>} : memref<256xi32, #tpu.memory_space<vmem>>, vector<16xi32>,
    %get3A_444 = vector.shape_cast %get3A_443 : vector<16xi32> to vector<16xi32>
    %get3A_445 = arith.constant 160 : index
    %get3A_446 = tpu.vector_load %arg7[%get3A_445] {strides = array<i32>} : memref<256xi32, #tpu.memory_space<vmem>>, vector<16xi32>,
    %get3A_447 = vector.shape_cast %get3A_446 : vector<16xi32> to vector<16xi32>
    %shift_right_arithmetic3A_448 = arith.constant 7 : i32
    %shift_right_arithmetic3A_449 = vector.broadcast %shift_right_arithmetic3A_448 : i32 to vector<16xi32>
    %shift_right_arithmetic3A_450 = arith.shrsi %get3A_447, %shift_right_arithmetic3A_449 : vector<16xi32>
    %shift_left3A_451 = arith.constant 16 : i32
    %shift_left3A_452 = vector.broadcast %shift_left3A_451 : i32 to vector<16xi32>
    %shift_left3A_453 = arith.shli %shift_right_arithmetic3A_450, %shift_left3A_452 : vector<16xi32>
    %shift_left3A_454 = arith.constant 7 : i32
    %shift_left3A_455 = vector.broadcast %shift_left3A_454 : i32 to vector<16xi32>
    %shift_left3A_456 = arith.shli %get3A_444, %shift_left3A_455 : vector<16xi32>
    %add3A_457 = arith.addi %shift_left3A_453, %shift_left3A_456 : vector<16xi32>
    %and3A_458 = arith.constant 127 : i32
    %and3A_459 = vector.broadcast %and3A_458 : i32 to vector<16xi32>
    %and3A_460 = arith.andi %get3A_447, %and3A_459 : vector<16xi32>
    %add3A_461 = arith.addi %add3A_457, %and3A_460 : vector<16xi32>
    %add3A_462 = arith.constant 160 : i32
    %add3A_463 = arith.addi %multiple_of3A, %add3A_462 : i32
    %add3A_464 = vector.broadcast %add3A_463 : i32 to vector<16xi32>
    %add3A_465 = arith.addi %add3A_464, %iota3A : vector<16xi32>
    %ge3A_466 = vector.broadcast %mul3A_9 : i32 to vector<16xi32>
    %ge3A_467 = arith.cmpi sge, %add3A_465, %ge3A_466 : vector<16xi32>
    %add3A_468 = arith.constant 250 : i32
    %add3A_469 = arith.addi %mul3A_9, %add3A_468 : i32
    %lt3A_470 = vector.broadcast %add3A_469 : i32 to vector<16xi32>
    %lt3A_471 = arith.cmpi slt, %add3A_465, %lt3A_470 : vector<16xi32>
    %and3A_472 = arith.andi %ge3A_467, %lt3A_471 : vector<16xi1>
    %jit3A_473 = arith.constant 1.000000e+00 : f32
    %jit3A_474 = arith.constant 0.000000e+00 : f32
    %broadcast_in_dim3A_475 = vector.broadcast %jit3A_473 : f32 to vector<16xf32>
    %broadcast_in_dim3A_476 = vector.broadcast %jit3A_474 : f32 to vector<16xf32>
    %select_n3A_477 = arith.select %and3A_472, %broadcast_in_dim3A_475, %broadcast_in_dim3A_476 : vector<16xi1>, vector<16xf32>
    %swap3A_478 = arith.constant 32 : index
    %swap3A_479 = tpu.vector_load %arg9[%swap3A_478] {strides = array<i32>} : memref<128xi32, #tpu.memory_space<vmem>>, vector<16xi32>,
    %swap3A_480 = vector.shape_cast %swap3A_479 : vector<16xi32> to vector<16xi32>
    %swap3A_481 = vector.shape_cast %add3A_461 : vector<16xi32> to vector<16xi32>
    tpu.vector_store %arg9[%swap3A_478], %swap3A_481 {strides = array<i32>} : memref<128xi32, #tpu.memory_space<vmem>>, vector<16xi32>,
    %swap3A_482 = arith.constant 32 : index
    %swap3A_483 = tpu.vector_load %arg11[%swap3A_482] {strides = array<i32>} : memref<128xf32, #tpu.memory_space<vmem>>, vector<16xf32>,
    %swap3A_484 = vector.shape_cast %swap3A_483 : vector<16xf32> to vector<16xf32>
    %swap3A_485 = vector.shape_cast %select_n3A_477 : vector<16xf32> to vector<16xf32>
    tpu.vector_store %arg11[%swap3A_482], %swap3A_485 {strides = array<i32>} : memref<128xf32, #tpu.memory_space<vmem>>, vector<16xf32>,
    %get3A_486 = arith.constant 176 : index
    %get3A_487 = tpu.vector_load %arg6[%get3A_486] {strides = array<i32>} : memref<256xi32, #tpu.memory_space<vmem>>, vector<16xi32>,
    %get3A_488 = vector.shape_cast %get3A_487 : vector<16xi32> to vector<16xi32>
    %get3A_489 = arith.constant 176 : index
    %get3A_490 = tpu.vector_load %arg7[%get3A_489] {strides = array<i32>} : memref<256xi32, #tpu.memory_space<vmem>>, vector<16xi32>,
    %get3A_491 = vector.shape_cast %get3A_490 : vector<16xi32> to vector<16xi32>
    %shift_right_arithmetic3A_492 = arith.constant 7 : i32
    %shift_right_arithmetic3A_493 = vector.broadcast %shift_right_arithmetic3A_492 : i32 to vector<16xi32>
    %shift_right_arithmetic3A_494 = arith.shrsi %get3A_491, %shift_right_arithmetic3A_493 : vector<16xi32>
    %shift_left3A_495 = arith.constant 16 : i32
    %shift_left3A_496 = vector.broadcast %shift_left3A_495 : i32 to vector<16xi32>
    %shift_left3A_497 = arith.shli %shift_right_arithmetic3A_494, %shift_left3A_496 : vector<16xi32>
    %shift_left3A_498 = arith.constant 7 : i32
    %shift_left3A_499 = vector.broadcast %shift_left3A_498 : i32 to vector<16xi32>
    %shift_left3A_500 = arith.shli %get3A_488, %shift_left3A_499 : vector<16xi32>
    %add3A_501 = arith.addi %shift_left3A_497, %shift_left3A_500 : vector<16xi32>
    %and3A_502 = arith.constant 127 : i32
    %and3A_503 = vector.broadcast %and3A_502 : i32 to vector<16xi32>
    %and3A_504 = arith.andi %get3A_491, %and3A_503 : vector<16xi32>
    %add3A_505 = arith.addi %add3A_501, %and3A_504 : vector<16xi32>
    %add3A_506 = arith.constant 176 : i32
    %add3A_507 = arith.addi %multiple_of3A, %add3A_506 : i32
    %add3A_508 = vector.broadcast %add3A_507 : i32 to vector<16xi32>
    %add3A_509 = arith.addi %add3A_508, %iota3A : vector<16xi32>
    %ge3A_510 = vector.broadcast %mul3A_9 : i32 to vector<16xi32>
    %ge3A_511 = arith.cmpi sge, %add3A_509, %ge3A_510 : vector<16xi32>
    %add3A_512 = arith.constant 250 : i32
    %add3A_513 = arith.addi %mul3A_9, %add3A_512 : i32
    %lt3A_514 = vector.broadcast %add3A_513 : i32 to vector<16xi32>
    %lt3A_515 = arith.cmpi slt, %add3A_509, %lt3A_514 : vector<16xi32>
    %and3A_516 = arith.andi %ge3A_511, %lt3A_515 : vector<16xi1>
    %jit3A_517 = arith.constant 1.000000e+00 : f32
    %jit3A_518 = arith.constant 0.000000e+00 : f32
    %broadcast_in_dim3A_519 = vector.broadcast %jit3A_517 : f32 to vector<16xf32>
    %broadcast_in_dim3A_520 = vector.broadcast %jit3A_518 : f32 to vector<16xf32>
    %select_n3A_521 = arith.select %and3A_516, %broadcast_in_dim3A_519, %broadcast_in_dim3A_520 : vector<16xi1>, vector<16xf32>
    %swap3A_522 = arith.constant 48 : index
    %swap3A_523 = tpu.vector_load %arg9[%swap3A_522] {strides = array<i32>} : memref<128xi32, #tpu.memory_space<vmem>>, vector<16xi32>,
    %swap3A_524 = vector.shape_cast %swap3A_523 : vector<16xi32> to vector<16xi32>
    %swap3A_525 = vector.shape_cast %add3A_505 : vector<16xi32> to vector<16xi32>
    tpu.vector_store %arg9[%swap3A_522], %swap3A_525 {strides = array<i32>} : memref<128xi32, #tpu.memory_space<vmem>>, vector<16xi32>,
    %swap3A_526 = arith.constant 48 : index
    %swap3A_527 = tpu.vector_load %arg11[%swap3A_526] {strides = array<i32>} : memref<128xf32, #tpu.memory_space<vmem>>, vector<16xf32>,
    %swap3A_528 = vector.shape_cast %swap3A_527 : vector<16xf32> to vector<16xf32>
    %swap3A_529 = vector.shape_cast %select_n3A_521 : vector<16xf32> to vector<16xf32>
    tpu.vector_store %arg11[%swap3A_526], %swap3A_529 {strides = array<i32>} : memref<128xf32, #tpu.memory_space<vmem>>, vector<16xf32>,
    %get3A_530 = arith.constant 192 : index
    %get3A_531 = tpu.vector_load %arg6[%get3A_530] {strides = array<i32>} : memref<256xi32, #tpu.memory_space<vmem>>, vector<16xi32>,
    %get3A_532 = vector.shape_cast %get3A_531 : vector<16xi32> to vector<16xi32>
    %get3A_533 = arith.constant 192 : index
    %get3A_534 = tpu.vector_load %arg7[%get3A_533] {strides = array<i32>} : memref<256xi32, #tpu.memory_space<vmem>>, vector<16xi32>,
    %get3A_535 = vector.shape_cast %get3A_534 : vector<16xi32> to vector<16xi32>
    %shift_right_arithmetic3A_536 = arith.constant 7 : i32
    %shift_right_arithmetic3A_537 = vector.broadcast %shift_right_arithmetic3A_536 : i32 to vector<16xi32>
    %shift_right_arithmetic3A_538 = arith.shrsi %get3A_535, %shift_right_arithmetic3A_537 : vector<16xi32>
    %shift_left3A_539 = arith.constant 16 : i32
    %shift_left3A_540 = vector.broadcast %shift_left3A_539 : i32 to vector<16xi32>
    %shift_left3A_541 = arith.shli %shift_right_arithmetic3A_538, %shift_left3A_540 : vector<16xi32>
    %shift_left3A_542 = arith.constant 7 : i32
    %shift_left3A_543 = vector.broadcast %shift_left3A_542 : i32 to vector<16xi32>
    %shift_left3A_544 = arith.shli %get3A_532, %shift_left3A_543 : vector<16xi32>
    %add3A_545 = arith.addi %shift_left3A_541, %shift_left3A_544 : vector<16xi32>
    %and3A_546 = arith.constant 127 : i32
    %and3A_547 = vector.broadcast %and3A_546 : i32 to vector<16xi32>
    %and3A_548 = arith.andi %get3A_535, %and3A_547 : vector<16xi32>
    %add3A_549 = arith.addi %add3A_545, %and3A_548 : vector<16xi32>
    %add3A_550 = arith.constant 192 : i32
    %add3A_551 = arith.addi %multiple_of3A, %add3A_550 : i32
    %add3A_552 = vector.broadcast %add3A_551 : i32 to vector<16xi32>
    %add3A_553 = arith.addi %add3A_552, %iota3A : vector<16xi32>
    %ge3A_554 = vector.broadcast %mul3A_9 : i32 to vector<16xi32>
    %ge3A_555 = arith.cmpi sge, %add3A_553, %ge3A_554 : vector<16xi32>
    %add3A_556 = arith.constant 250 : i32
    %add3A_557 = arith.addi %mul3A_9, %add3A_556 : i32
    %lt3A_558 = vector.broadcast %add3A_557 : i32 to vector<16xi32>
    %lt3A_559 = arith.cmpi slt, %add3A_553, %lt3A_558 : vector<16xi32>
    %and3A_560 = arith.andi %ge3A_555, %lt3A_559 : vector<16xi1>
    %jit3A_561 = arith.constant 1.000000e+00 : f32
    %jit3A_562 = arith.constant 0.000000e+00 : f32
    %broadcast_in_dim3A_563 = vector.broadcast %jit3A_561 : f32 to vector<16xf32>
    %broadcast_in_dim3A_564 = vector.broadcast %jit3A_562 : f32 to vector<16xf32>
    %select_n3A_565 = arith.select %and3A_560, %broadcast_in_dim3A_563, %broadcast_in_dim3A_564 : vector<16xi1>, vector<16xf32>
    %swap3A_566 = arith.constant 64 : index
    %swap3A_567 = tpu.vector_load %arg9[%swap3A_566] {strides = array<i32>} : memref<128xi32, #tpu.memory_space<vmem>>, vector<16xi32>,
    %swap3A_568 = vector.shape_cast %swap3A_567 : vector<16xi32> to vector<16xi32>
    %swap3A_569 = vector.shape_cast %add3A_549 : vector<16xi32> to vector<16xi32>
    tpu.vector_store %arg9[%swap3A_566], %swap3A_569 {strides = array<i32>} : memref<128xi32, #tpu.memory_space<vmem>>, vector<16xi32>,
    %swap3A_570 = arith.constant 64 : index
    %swap3A_571 = tpu.vector_load %arg11[%swap3A_570] {strides = array<i32>} : memref<128xf32, #tpu.memory_space<vmem>>, vector<16xf32>,
    %swap3A_572 = vector.shape_cast %swap3A_571 : vector<16xf32> to vector<16xf32>
    %swap3A_573 = vector.shape_cast %select_n3A_565 : vector<16xf32> to vector<16xf32>
    tpu.vector_store %arg11[%swap3A_570], %swap3A_573 {strides = array<i32>} : memref<128xf32, #tpu.memory_space<vmem>>, vector<16xf32>,
    %get3A_574 = arith.constant 208 : index
    %get3A_575 = tpu.vector_load %arg6[%get3A_574] {strides = array<i32>} : memref<256xi32, #tpu.memory_space<vmem>>, vector<16xi32>,
    %get3A_576 = vector.shape_cast %get3A_575 : vector<16xi32> to vector<16xi32>
    %get3A_577 = arith.constant 208 : index
    %get3A_578 = tpu.vector_load %arg7[%get3A_577] {strides = array<i32>} : memref<256xi32, #tpu.memory_space<vmem>>, vector<16xi32>,
    %get3A_579 = vector.shape_cast %get3A_578 : vector<16xi32> to vector<16xi32>
    %shift_right_arithmetic3A_580 = arith.constant 7 : i32
    %shift_right_arithmetic3A_581 = vector.broadcast %shift_right_arithmetic3A_580 : i32 to vector<16xi32>
    %shift_right_arithmetic3A_582 = arith.shrsi %get3A_579, %shift_right_arithmetic3A_581 : vector<16xi32>
    %shift_left3A_583 = arith.constant 16 : i32
    %shift_left3A_584 = vector.broadcast %shift_left3A_583 : i32 to vector<16xi32>
    %shift_left3A_585 = arith.shli %shift_right_arithmetic3A_582, %shift_left3A_584 : vector<16xi32>
    %shift_left3A_586 = arith.constant 7 : i32
    %shift_left3A_587 = vector.broadcast %shift_left3A_586 : i32 to vector<16xi32>
    %shift_left3A_588 = arith.shli %get3A_576, %shift_left3A_587 : vector<16xi32>
    %add3A_589 = arith.addi %shift_left3A_585, %shift_left3A_588 : vector<16xi32>
    %and3A_590 = arith.constant 127 : i32
    %and3A_591 = vector.broadcast %and3A_590 : i32 to vector<16xi32>
    %and3A_592 = arith.andi %get3A_579, %and3A_591 : vector<16xi32>
    %add3A_593 = arith.addi %add3A_589, %and3A_592 : vector<16xi32>
    %add3A_594 = arith.constant 208 : i32
    %add3A_595 = arith.addi %multiple_of3A, %add3A_594 : i32
    %add3A_596 = vector.broadcast %add3A_595 : i32 to vector<16xi32>
    %add3A_597 = arith.addi %add3A_596, %iota3A : vector<16xi32>
    %ge3A_598 = vector.broadcast %mul3A_9 : i32 to vector<16xi32>
    %ge3A_599 = arith.cmpi sge, %add3A_597, %ge3A_598 : vector<16xi32>
    %add3A_600 = arith.constant 250 : i32
    %add3A_601 = arith.addi %mul3A_9, %add3A_600 : i32
    %lt3A_602 = vector.broadcast %add3A_601 : i32 to vector<16xi32>
    %lt3A_603 = arith.cmpi slt, %add3A_597, %lt3A_602 : vector<16xi32>
    %and3A_604 = arith.andi %ge3A_599, %lt3A_603 : vector<16xi1>
    %jit3A_605 = arith.constant 1.000000e+00 : f32
    %jit3A_606 = arith.constant 0.000000e+00 : f32
    %broadcast_in_dim3A_607 = vector.broadcast %jit3A_605 : f32 to vector<16xf32>
    %broadcast_in_dim3A_608 = vector.broadcast %jit3A_606 : f32 to vector<16xf32>
    %select_n3A_609 = arith.select %and3A_604, %broadcast_in_dim3A_607, %broadcast_in_dim3A_608 : vector<16xi1>, vector<16xf32>
    %swap3A_610 = arith.constant 80 : index
    %swap3A_611 = tpu.vector_load %arg9[%swap3A_610] {strides = array<i32>} : memref<128xi32, #tpu.memory_space<vmem>>, vector<16xi32>,
    %swap3A_612 = vector.shape_cast %swap3A_611 : vector<16xi32> to vector<16xi32>
    %swap3A_613 = vector.shape_cast %add3A_593 : vector<16xi32> to vector<16xi32>
    tpu.vector_store %arg9[%swap3A_610], %swap3A_613 {strides = array<i32>} : memref<128xi32, #tpu.memory_space<vmem>>, vector<16xi32>,
    %swap3A_614 = arith.constant 80 : index
    %swap3A_615 = tpu.vector_load %arg11[%swap3A_614] {strides = array<i32>} : memref<128xf32, #tpu.memory_space<vmem>>, vector<16xf32>,
    %swap3A_616 = vector.shape_cast %swap3A_615 : vector<16xf32> to vector<16xf32>
    %swap3A_617 = vector.shape_cast %select_n3A_609 : vector<16xf32> to vector<16xf32>
    tpu.vector_store %arg11[%swap3A_614], %swap3A_617 {strides = array<i32>} : memref<128xf32, #tpu.memory_space<vmem>>, vector<16xf32>,
    %get3A_618 = arith.constant 224 : index
    %get3A_619 = tpu.vector_load %arg6[%get3A_618] {strides = array<i32>} : memref<256xi32, #tpu.memory_space<vmem>>, vector<16xi32>,
    %get3A_620 = vector.shape_cast %get3A_619 : vector<16xi32> to vector<16xi32>
    %get3A_621 = arith.constant 224 : index
    %get3A_622 = tpu.vector_load %arg7[%get3A_621] {strides = array<i32>} : memref<256xi32, #tpu.memory_space<vmem>>, vector<16xi32>,
    %get3A_623 = vector.shape_cast %get3A_622 : vector<16xi32> to vector<16xi32>
    %shift_right_arithmetic3A_624 = arith.constant 7 : i32
    %shift_right_arithmetic3A_625 = vector.broadcast %shift_right_arithmetic3A_624 : i32 to vector<16xi32>
    %shift_right_arithmetic3A_626 = arith.shrsi %get3A_623, %shift_right_arithmetic3A_625 : vector<16xi32>
    %shift_left3A_627 = arith.constant 16 : i32
    %shift_left3A_628 = vector.broadcast %shift_left3A_627 : i32 to vector<16xi32>
    %shift_left3A_629 = arith.shli %shift_right_arithmetic3A_626, %shift_left3A_628 : vector<16xi32>
    %shift_left3A_630 = arith.constant 7 : i32
    %shift_left3A_631 = vector.broadcast %shift_left3A_630 : i32 to vector<16xi32>
    %shift_left3A_632 = arith.shli %get3A_620, %shift_left3A_631 : vector<16xi32>
    %add3A_633 = arith.addi %shift_left3A_629, %shift_left3A_632 : vector<16xi32>
    %and3A_634 = arith.constant 127 : i32
    %and3A_635 = vector.broadcast %and3A_634 : i32 to vector<16xi32>
    %and3A_636 = arith.andi %get3A_623, %and3A_635 : vector<16xi32>
    %add3A_637 = arith.addi %add3A_633, %and3A_636 : vector<16xi32>
    %add3A_638 = arith.constant 224 : i32
    %add3A_639 = arith.addi %multiple_of3A, %add3A_638 : i32
    %add3A_640 = vector.broadcast %add3A_639 : i32 to vector<16xi32>
    %add3A_641 = arith.addi %add3A_640, %iota3A : vector<16xi32>
    %ge3A_642 = vector.broadcast %mul3A_9 : i32 to vector<16xi32>
    %ge3A_643 = arith.cmpi sge, %add3A_641, %ge3A_642 : vector<16xi32>
    %add3A_644 = arith.constant 250 : i32
    %add3A_645 = arith.addi %mul3A_9, %add3A_644 : i32
    %lt3A_646 = vector.broadcast %add3A_645 : i32 to vector<16xi32>
    %lt3A_647 = arith.cmpi slt, %add3A_641, %lt3A_646 : vector<16xi32>
    %and3A_648 = arith.andi %ge3A_643, %lt3A_647 : vector<16xi1>
    %jit3A_649 = arith.constant 1.000000e+00 : f32
    %jit3A_650 = arith.constant 0.000000e+00 : f32
    %broadcast_in_dim3A_651 = vector.broadcast %jit3A_649 : f32 to vector<16xf32>
    %broadcast_in_dim3A_652 = vector.broadcast %jit3A_650 : f32 to vector<16xf32>
    %select_n3A_653 = arith.select %and3A_648, %broadcast_in_dim3A_651, %broadcast_in_dim3A_652 : vector<16xi1>, vector<16xf32>
    %swap3A_654 = arith.constant 96 : index
    %swap3A_655 = tpu.vector_load %arg9[%swap3A_654] {strides = array<i32>} : memref<128xi32, #tpu.memory_space<vmem>>, vector<16xi32>,
    %swap3A_656 = vector.shape_cast %swap3A_655 : vector<16xi32> to vector<16xi32>
    %swap3A_657 = vector.shape_cast %add3A_637 : vector<16xi32> to vector<16xi32>
    tpu.vector_store %arg9[%swap3A_654], %swap3A_657 {strides = array<i32>} : memref<128xi32, #tpu.memory_space<vmem>>, vector<16xi32>,
    %swap3A_658 = arith.constant 96 : index
    %swap3A_659 = tpu.vector_load %arg11[%swap3A_658] {strides = array<i32>} : memref<128xf32, #tpu.memory_space<vmem>>, vector<16xf32>,
    %swap3A_660 = vector.shape_cast %swap3A_659 : vector<16xf32> to vector<16xf32>
    %swap3A_661 = vector.shape_cast %select_n3A_653 : vector<16xf32> to vector<16xf32>
    tpu.vector_store %arg11[%swap3A_658], %swap3A_661 {strides = array<i32>} : memref<128xf32, #tpu.memory_space<vmem>>, vector<16xf32>,
    %get3A_662 = arith.constant 240 : index
    %get3A_663 = tpu.vector_load %arg6[%get3A_662] {strides = array<i32>} : memref<256xi32, #tpu.memory_space<vmem>>, vector<16xi32>,
    %get3A_664 = vector.shape_cast %get3A_663 : vector<16xi32> to vector<16xi32>
    %get3A_665 = arith.constant 240 : index
    %get3A_666 = tpu.vector_load %arg7[%get3A_665] {strides = array<i32>} : memref<256xi32, #tpu.memory_space<vmem>>, vector<16xi32>,
    %get3A_667 = vector.shape_cast %get3A_666 : vector<16xi32> to vector<16xi32>
    %shift_right_arithmetic3A_668 = arith.constant 7 : i32
    %shift_right_arithmetic3A_669 = vector.broadcast %shift_right_arithmetic3A_668 : i32 to vector<16xi32>
    %shift_right_arithmetic3A_670 = arith.shrsi %get3A_667, %shift_right_arithmetic3A_669 : vector<16xi32>
    %shift_left3A_671 = arith.constant 16 : i32
    %shift_left3A_672 = vector.broadcast %shift_left3A_671 : i32 to vector<16xi32>
    %shift_left3A_673 = arith.shli %shift_right_arithmetic3A_670, %shift_left3A_672 : vector<16xi32>
    %shift_left3A_674 = arith.constant 7 : i32
    %shift_left3A_675 = vector.broadcast %shift_left3A_674 : i32 to vector<16xi32>
    %shift_left3A_676 = arith.shli %get3A_664, %shift_left3A_675 : vector<16xi32>
    %add3A_677 = arith.addi %shift_left3A_673, %shift_left3A_676 : vector<16xi32>
    %and3A_678 = arith.constant 127 : i32
    %and3A_679 = vector.broadcast %and3A_678 : i32 to vector<16xi32>
    %and3A_680 = arith.andi %get3A_667, %and3A_679 : vector<16xi32>
    %add3A_681 = arith.addi %add3A_677, %and3A_680 : vector<16xi32>
    %add3A_682 = arith.constant 240 : i32
    %add3A_683 = arith.addi %multiple_of3A, %add3A_682 : i32
    %add3A_684 = vector.broadcast %add3A_683 : i32 to vector<16xi32>
    %add3A_685 = arith.addi %add3A_684, %iota3A : vector<16xi32>
    %ge3A_686 = vector.broadcast %mul3A_9 : i32 to vector<16xi32>
    %ge3A_687 = arith.cmpi sge, %add3A_685, %ge3A_686 : vector<16xi32>
    %add3A_688 = arith.constant 250 : i32
    %add3A_689 = arith.addi %mul3A_9, %add3A_688 : i32
    %lt3A_690 = vector.broadcast %add3A_689 : i32 to vector<16xi32>
    %lt3A_691 = arith.cmpi slt, %add3A_685, %lt3A_690 : vector<16xi32>
    %and3A_692 = arith.andi %ge3A_687, %lt3A_691 : vector<16xi1>
    %jit3A_693 = arith.constant 1.000000e+00 : f32
    %jit3A_694 = arith.constant 0.000000e+00 : f32
    %broadcast_in_dim3A_695 = vector.broadcast %jit3A_693 : f32 to vector<16xf32>
    %broadcast_in_dim3A_696 = vector.broadcast %jit3A_694 : f32 to vector<16xf32>
    %select_n3A_697 = arith.select %and3A_692, %broadcast_in_dim3A_695, %broadcast_in_dim3A_696 : vector<16xi1>, vector<16xf32>
    %swap3A_698 = arith.constant 112 : index
    %swap3A_699 = tpu.vector_load %arg9[%swap3A_698] {strides = array<i32>} : memref<128xi32, #tpu.memory_space<vmem>>, vector<16xi32>,
    %swap3A_700 = vector.shape_cast %swap3A_699 : vector<16xi32> to vector<16xi32>
    %swap3A_701 = vector.shape_cast %add3A_681 : vector<16xi32> to vector<16xi32>
    tpu.vector_store %arg9[%swap3A_698], %swap3A_701 {strides = array<i32>} : memref<128xi32, #tpu.memory_space<vmem>>, vector<16xi32>,
    %swap3A_702 = arith.constant 112 : index
    %swap3A_703 = tpu.vector_load %arg11[%swap3A_702] {strides = array<i32>} : memref<128xf32, #tpu.memory_space<vmem>>, vector<16xf32>,
    %swap3A_704 = vector.shape_cast %swap3A_703 : vector<16xf32> to vector<16xf32>
    %swap3A_705 = vector.shape_cast %select_n3A_697 : vector<16xf32> to vector<16xf32>
    tpu.vector_store %arg11[%swap3A_702], %swap3A_705 {strides = array<i32>} : memref<128xf32, #tpu.memory_space<vmem>>, vector<16xf32>,
    "tpu.region"() ({
      %run_scoped3A = tpu.sem_alloc : memref<!tpu.dma_semaphore, #tpu.memory_space<semaphore_mem>>
      %dma_start3A = arith.constant 0 : i32
      %dma_start3A_711 = tpu.memref_slice %arg5[%dma_start3A] : memref<262144xf32, #tpu.memory_space<vmem_shared>> -> memref<262144xf32, #tpu.memory_space<vmem_shared>>
      tpu.enqueue_indirect_dma source(%arg10 : memref<128xf32, #tpu.memory_space<vmem>>) target(%dma_start3A_711 : memref<262144xf32, #tpu.memory_space<vmem_shared>>) offsets(%arg8 : memref<128xi32, #tpu.memory_space<vmem>>) semaphore(%run_scoped3A : memref<!tpu.dma_semaphore, #tpu.memory_space<semaphore_mem>>) {add = true}
      %dma_wait3A = arith.constant 0 : i32
      %dma_wait3A_712 = tpu.memref_slice %arg5[%dma_wait3A] : memref<262144xf32, #tpu.memory_space<vmem_shared>> -> memref<262144xf32, #tpu.memory_space<vmem_shared>>
      tpu.wait_indirect_dma semaphore(%run_scoped3A : memref<!tpu.dma_semaphore, #tpu.memory_space<semaphore_mem>>) src(%arg10 : memref<128xf32, #tpu.memory_space<vmem>>) dst(%dma_wait3A_712 : memref<262144xf32, #tpu.memory_space<vmem_shared>>)
      tpu.yield
    }) : () -> ()
    "tpu.region"() ({
      %run_scoped3A = tpu.sem_alloc : memref<!tpu.dma_semaphore, #tpu.memory_space<semaphore_mem>>
      %dma_start3A = arith.constant 0 : i32
      %dma_start3A_711 = tpu.memref_slice %arg5[%dma_start3A] : memref<262144xf32, #tpu.memory_space<vmem_shared>> -> memref<262144xf32, #tpu.memory_space<vmem_shared>>
      tpu.enqueue_indirect_dma source(%arg11 : memref<128xf32, #tpu.memory_space<vmem>>) target(%dma_start3A_711 : memref<262144xf32, #tpu.memory_space<vmem_shared>>) offsets(%arg9 : memref<128xi32, #tpu.memory_space<vmem>>) semaphore(%run_scoped3A : memref<!tpu.dma_semaphore, #tpu.memory_space<semaphore_mem>>) {add = true}
      %dma_wait3A = arith.constant 0 : i32
      %dma_wait3A_712 = tpu.memref_slice %arg5[%dma_wait3A] : memref<262144xf32, #tpu.memory_space<vmem_shared>> -> memref<262144xf32, #tpu.memory_space<vmem_shared>>
      tpu.wait_indirect_dma semaphore(%run_scoped3A : memref<!tpu.dma_semaphore, #tpu.memory_space<semaphore_mem>>) src(%arg11 : memref<128xf32, #tpu.memory_space<vmem>>) dst(%dma_wait3A_712 : memref<262144xf32, #tpu.memory_space<vmem_shared>>)
      tpu.yield
    }) : () -> ()
    %barrier3A_706 = arith.constant 0 : index
    tpu.barrier barrier_id(%barrier3A_706)
    %mul3A_707 = arith.constant 16384 : i32
    %mul3A_708 = arith.muli %arg1, %mul3A_707 : i32
    %mul3A_709 = arith.constant 16384 : i32
    %mul3A_710 = arith.muli %add3A, %mul3A_709 : i32
    "tpu.region"() ({
      %run_scoped3A = tpu.sem_alloc : memref<!tpu.dma_semaphore, #tpu.memory_space<semaphore_mem>>
      %dma_start3A = tpu.memref_slice %arg4[%mul3A_710] : memref<524288xf32, #tpu.memory_space<hbm>> -> memref<16384xf32, #tpu.memory_space<hbm>>
      %dma_start3A_711 = tpu.memref_slice %arg5[%mul3A_708] : memref<262144xf32, #tpu.memory_space<vmem_shared>> -> memref<16384xf32, #tpu.memory_space<vmem_shared>>
      tpu.enqueue_dma source(%dma_start3A_711 : memref<16384xf32, #tpu.memory_space<vmem_shared>>) target(%dma_start3A : memref<16384xf32, #tpu.memory_space<hbm>>) target_semaphore(%run_scoped3A : memref<!tpu.dma_semaphore, #tpu.memory_space<semaphore_mem>>)
      %dma_wait3A = tpu.memref_slice %arg4[%mul3A_710] : memref<524288xf32, #tpu.memory_space<hbm>> -> memref<16384xf32, #tpu.memory_space<hbm>>
      %dma_wait3A_712 = tpu.memref_slice %arg5[%mul3A_708] : memref<262144xf32, #tpu.memory_space<vmem_shared>> -> memref<16384xf32, #tpu.memory_space<vmem_shared>>
      tpu.wait_dma2 semaphore(%run_scoped3A : memref<!tpu.dma_semaphore, #tpu.memory_space<semaphore_mem>>) src(%dma_wait3A_712 : memref<16384xf32, #tpu.memory_space<vmem_shared>>) dst(%dma_wait3A : memref<16384xf32, #tpu.memory_space<hbm>>)
      tpu.yield
    }) : () -> ()
    return
  }
}

</mosaic_0001>

<sc_bundles>
// kernel: _build_counts.3.cloned.1.call-start
scs
__scs_entry_jumppad:
0x0: {  	(pc) =	sbr.rel $0x88, $3  }
0x1: {  	(tag) =	ssettag $0x0;
	lr =	simm.s32 $0x1  }
0x2: {  	[smem:$0x3F9F] =	sst lr;
	_ =	strace $0xD0000000  }
0x3: {  	_ = 	snop  }
0x4: {  	_ = 	snop  }
0x5: {  	_ = 	snop  }
0x6: {  	_ = 	snop  }
0x7: {  	_ = 	snop  }
__scs_overlays_trampoline_lowered:
0x8: {  	[smem:$0x3FAE] =	sst s0  }
0x9: {  	[smem:$0x3FAF] =	sst s1  }
0xa: {  	[smem:$0x3FB0] =	sst s2  }
0xb: {  	[smem:$0x3FB1] =	sst s3  }
0xc: {  	[smem:$0x3FB2] =	sst s4  }
0xd: {  	[smem:$0x3FB3] =	sst s5  }
0xe: {  	[smem:$0x3FB4] =	sst s6  }
0xf: {  	[smem:$0x3FB5] =	sst s7  }
0x10: {  	[smem:$0x3FB6] =	sst s8  }
0x11: {  	[smem:$0x3FB7] =	sst s9;
	s0 =	simm.s32 @!p0 $0x0  }
0x12: {  	s1 =	sld [smem:$0x3F9D];
	s0 =	simm.s32 @p0 $0x1  }
0x13: {  	[smem:$0x3FB8] =	sst s0;
	s0 =	simm.s32 @!p1 $0x0  }
0x14: {  	s2 =	sld [smem:$0x3F9C];
	s0 =	simm.s32 @p1 $0x1  }
0x15: {  	[smem:$0x3FB9] =	sst s0;
	s0 =	simm.s32 @!p2 $0x0  }
0x16: {  	s3 =	sld [smem:$0x3FDB];
	s0 =	simm.s32 @p2 $0x1  }
0x17: {  	s4 =	simm.s32 $0x1BF5;
	[smem:$0x3FBB] =	sst s0  }
0x18: {  	s0 =	sld [smem:$0x3F9E];
	_ =	swait.ge [sflag:s4], $0x0  }
0x19: {  	s7 =	sld [smem:$0x3F9F]  }
0x1a: {  	s8 =	sadd.s32 $0xFFFFE003, lr  }
0x1b: {  	s9 =	sadd.s32 $0xFFFFFEF7, lr;
	s5 =	simm.s32 $0xFFFFFFFF;
	p2 =	slt.u32 s8, $0xFFFFF086  }
0x1c: {  	p1 =	slt.u32 s9, $0xF7A;
	s5 =	simm.s32 @!p2 $0x0  }
0x1d: {  	s5 =	simm.s32 @p1 $0x1;
	p0 =	seq.s32 s7, s2  }
0x1e: {  	s7 =	smul.u32 @!p0 $0xF7A, s2;
	p2 =	seq.s32 @!p0 s5, $0x0  }
0x1f: {  	s9 =	smul.u32 $0xF7A, s1;
	s8 =	simm.s32 @!p0 $0x1BF5;
	p2 =	por !p2, p0  }
0x20: {  	[sflag:s8] =	ssyncset.s32 @!p0 $0xFFFFF086;
	s6 =	sadd.s32 @!p0 s3, s7;
	s7 =	simm.s32 @!p0 $0x108  }
0x21: {  	s3 =	sadd.s32 s3, s9;
	s6 =	sadd.s32 @!p0 $0x88, s6;
	s7 =	simm.s32 @p2 $0x1082  }
0x22: {  	[simem:s7], [sflag:s8] =	dma.local @!p0 [hbm:s6], $0xF7A  }
0x23: {  	s9 =	sor.u32 $0xD0000000, s2;
	s6 =	simm.s32 $0x108;
	_ =	swait.ge @!p0 [sflag:s8], $0x0  }
0x24: {  	s3 =	sadd.s32 $0x88, s3;
	s6 =	simm.s32 @!p1 $0x1082;
	[sflag:s4] =	ssyncset.s32 $0xFFFFF086  }
0x25: {  	[simem:s6], [sflag:s4] =	dma.local [hbm:s3], $0xF7A  }
0x26: {  	[smem:$0x3F9F] =	sst s1;
	(tag) =	ssettag s2;
	_ =	strace s9  }
0x27: {  	s1 =	sld [smem:$0x3FAF]  }
0x28: {  	s2 =	sld [smem:$0x3FB0]  }
0x29: {  	s4 =	sld [smem:$0x3FB2]  }
0x2a: {  	p0 =	seq.s32 s5, $0x0;
	s5 =	sld [smem:$0x3FB3]  }
0x2b: {  	s6 =	sld [smem:$0x3FB4]  }
0x2c: {  	s7 =	sld [smem:$0x3FB5]  }
0x2d: {  	s3 =	simm.s32 $0x108;
	s8 =	sld [smem:$0x3FB6]  }
0x2e: {  	s3 =	simm.s32 @!p0 $0x1082;
	s9 =	sld [smem:$0x3FB7]  }
0x2f: {  	lr =	sadd.s32 s0, s3;
	s0 =	sld [smem:$0x3FAE]  }
0x30: {  	s3 =	sld [smem:$0x3FB1]  }
0x31: {  	[smem:$0x3FBA] =	sst s10  }
0x32: {  	s10 =	sld [smem:$0x3FB8];
	_ =	sdelay $0x3  }
0x33: {  	p0 =	seq.s32 s10, $0x1;
	s10 =	sld [smem:$0x3FBA];
	_ =	sdelay $0x3  }
0x34: {  	[smem:$0x3FBA] =	sst s10  }
0x35: {  	s10 =	sld [smem:$0x3FB9];
	_ =	sdelay $0x3  }
0x36: {  	p1 =	seq.s32 s10, $0x1;
	s10 =	sld [smem:$0x3FBA];
	_ =	sdelay $0x3  }
0x37: {  	[smem:$0x3FBA] =	sst s10  }
0x38: {  	s10 =	sld [smem:$0x3FBB]  }
0x39: {  	_ = 	snop;
	(pc) =	sbr.ind lr, $3  }
0x3a: {  	_ = 	snop  }
0x3b: {  	_ = 	snop  }
0x3c: {  	p2 =	seq.s32 s10, $0x1;
	s10 =	sld [smem:$0x3FBA]  }
0x3d: {  	_ =	shalt  }
0x3e: {  	_ =	shalt  }
0x3f: {  	_ =	shalt  }
0x40: {  	_ =	shalt  }
0x41: {  	_ =	shalt  }
0x42: {  	_ =	shalt  }
0x43: {  	_ =	shalt  }
0x44: {  	_ =	shalt  }
0x45: {  	_ =	shalt  }
0x46: {  	_ =	shalt  }
0x47: {  	_ =	shalt  }
0x48: {  	_ =	shalt  }
0x49: {  	_ =	shalt  }
0x4a: {  	_ =	shalt  }
0x4b: {  	_ =	shalt  }
0x4c: {  	_ =	shalt  }
0x4d: {  	_ =	shalt  }
0x4e: {  	_ =	shalt  }
0x4f: {  	_ =	shalt  }
0x50: {  	_ =	shalt  }
0x51: {  	_ =	shalt  }
0x52: {  	_ =	shalt  }
0x53: {  	_ =	shalt  }
0x54: {  	_ =	shalt  }
0x55: {  	_ =	shalt  }
0x56: {  	_ =	shalt  }
0x57: {  	_ =	shalt  }
0x58: {  	_ =	shalt  }
0x59: {  	_ =	shalt  }
0x5a: {  	_ =	shalt  }
0x5b: {  	_ =	shalt  }
0x5c: {  	_ =	shalt  }
0x5d: {  	_ =	shalt  }
0x5e: {  	_ =	shalt  }
0x5f: {  	_ =	shalt  }
0x60: {  	_ =	shalt  }
0x61: {  	_ =	shalt  }
0x62: {  	_ =	shalt  }
0x63: {  	_ =	shalt  }
0x64: {  	_ =	shalt  }
0x65: {  	_ =	shalt  }
0x66: {  	_ =	shalt  }
0x67: {  	_ =	shalt  }
0x68: {  	_ =	shalt  }
0x69: {  	_ =	shalt  }
0x6a: {  	_ =	shalt  }
0x6b: {  	_ =	shalt  }
0x6c: {  	_ =	shalt  }
0x6d: {  	_ =	shalt  }
0x6e: {  	_ =	shalt  }
0x6f: {  	_ =	shalt  }
0x70: {  	_ =	shalt  }
0x71: {  	_ =	shalt  }
0x72: {  	_ =	shalt  }
0x73: {  	_ =	shalt  }
0x74: {  	_ =	shalt  }
0x75: {  	_ =	shalt  }
0x76: {  	_ =	shalt  }
0x77: {  	_ =	shalt  }
0x78: {  	_ =	shalt  }
0x79: {  	_ =	shalt  }
0x7a: {  	_ =	shalt  }
0x7b: {  	_ =	shalt  }
0x7c: {  	_ =	shalt  }
0x7d: {  	_ =	shalt  }
0x7e: {  	_ =	shalt  }
0x7f: {  	_ =	shalt  }
0x80: {  	_ =	shalt  }
0x81: {  	_ =	shalt  }
0x82: {  	_ =	shalt  }
0x83: {  	_ =	shalt  }
0x84: {  	_ =	shalt  }
0x85: {  	_ =	shalt  }
0x86: {  	_ =	shalt  }
0x87: {  	_ =	shalt  }
.Lfunc_end0:
.L_simem_size_0:
called_computation_lowered:
.L_overlay_start_0:
0x88: {  	s2 =	sld [smem:$0x3FD9]  }
0x89: {  	s3 =	sld [smem:$0x3FFE];
	_ =	sdelay $0x1  }
0x8a: {  	s1 =	srdreg.scid  }
0x8b: {  	s0 =	sand.u32 $0x1, s1  }
0x8c: {  	s18 =	sshll.u32 s0, $0xA;
	s2 =	sadd.s32 s3, s2  }
0x8d: {  	s2 =	sadd.s32 s2, s18  }
0x8e: {  	[smem:$0x3FC6] =	sst s2  }
0x8f: {  	_ = 	snop  }
0x90: {  	s2 =	sld [smem:$0x3FC9]  }
0x91: {  	s19 =	sld [smem:$0x3FC8]  }
0x92: {  	s4 =	sld [smem:$0x3FD0];
	(tm) =	ssettm $0x1  }
0x93: {  	s5 =	sld [smem:$0x3FFB];
	_ =	sdelay $0x3  }
0x94: {  	_ =	strace s5  }
0x95: {  	s5 =	sld [smem:$0x3FFC];
	_ =	sdelay $0x3  }
0x96: {  	_ =	strace s5  }
0x97: {  	s5 =	sld [smem:$0x3FFD];
	_ =	sdelay $0x3  }
0x98: {  	_ =	strace s5  }
0x99: {  	_ =	strace $0x8FFFFFFF  }
0x9a: {  	s20 =	sld [smem:$0x3FDB];
	_ =	sdelay $0x1  }
0x9b: {  	s6 =	simm.s32 $_scs_section_size  }
0x9c: {  	s7 =	simm.s32 $_size__tile_overlayer_lowered;
	s8 =	simm.s32 $_tile_overlayer_lowered  }
0x9d: {  	s23 =	simm.s32 $0x1BFF;
	s22 =	sshll.u32 s8, $0x1;
	s5 =	sadd.s32 s6, s20  }
0x9e: {  	s9 =	simm.s32 $0x0;
	s21 =	sshll.u32 s7, $0x1;
	s7 =	sadd.s32 s22, s5  }
0x9f: {  	[timem:s9], [sflag:s23] =	dma.local [hbm:s7], s21  }
0xa0: {  	_ =	swait.ge [sflag:s23], s21  }
0xa1: {  	s6 =	ssub.s32 $0x0, s21;
	[sflag:s23] =	ssyncset.done $0x0  }
0xa2: {  	[sflag:s23] =	ssyncadd.s32 s6;
	_ =	sdelay $0x1  }
0xa3: {  	s24 =	simm.s32 $0x1B8B  }
0xa4: {  	_ =	swait.ge [sflag:s24], $0x1  }
0xa5: {  	[sflag:s24] =	ssyncset.done $0x0  }
0xa6: {  	s25 =	simm.s32 $0x1B8E;
	[sflag:s24] =	ssyncadd.s32 $0xFFFFFFFF  }
0xa7: {  	s26 =	simm.s32 $execute0_lowered;
	[smem:$0x3FD2] =	sst s25  }
0xa8: {  	s6 =	sshll.u32 s26, $0x1;
	_ =	strace $0x80000046;
	[dreg:$0x1] =	wrdreg $0xFFFFFFFF  }
0xa9: {  	s28 =	simm.s32 $_size_execute0_lowered;
	s5 =	sadd.s32 s5, s6;
	[dreg:$0x0] =	wrdreg $0x0  }
0xaa: {  	s6 =	sshll.u32 s28, $0x1;
	[dreg:$0x2] =	wrdreg s5  }
0xab: {  	[dreg:$0x3] =	wrdreg s6  }
0xac: {  	[dreg:$0x4] =	wrdreg $0xC0  }
0xad: {  	_ =	task [dreg:s9], $0x5FFFF  }
0xae: {  	[dreg:$0x1] =	wrdreg $0xFFFFFFFF  }
0xaf: {  	[dreg:$0x0] =	wrdreg $0x60  }
0xb0: {  	[dreg:$0x2] =	wrdreg s2  }
0xb1: {  	[dreg:$0x3] =	wrdreg s19  }
0xb2: {  	[dreg:$0x4] =	wrdreg s4  }
0xb3: {  	[dreg:$0x5] =	wrdreg $0x0  }
0xb4: {  	[dreg:$0x6] =	wrdreg $0x9  }
0xb5: {  	_ =	task.clear_ibuf [dreg:s9], $0x7FFFF;
	_ =	strace $0x90000046  }
0xb6: {  	s29 =	simm.s32 $0x9;
	_ =	strace $0x80000048  }
0xb7: {  	_ =	swait.ge [sflag:s29], $0x1  }
0xb8: {  	[sflag:s29] =	ssyncadd.s32 $0xFFFFFFFF  }
0xb9: {  	_ =	strace $0x90000048  }
0xba: {  	_ =	sfence  }
0xbb: {  	s30 =	sld [smem:$0x0];
	_ =	sdelay $0x2  }
0xbc: {  	s31 =	sshll.u32 s1, $0xD;
	s1 =	sshrl.u32 s1, $0x2  }
0xbd: {  	s3 =	sand.u32 $0x4000, s31;
	s1 =	sadd.s32 s1, s30  }
0xbe: {  	s0 =	sor.u32 s3, s0;
	s1 =	sshll.u32 s1, $0x11  }
0xbf: {  	s0 =	sor.u32 s1, s0  }
0xc0: {  	s0 =	sadd.s32 $0x8F2B, s0  }
0xc1: {  	[sflag:s0] =	ssyncadd.remote.s32 $0x1  }
0xc2: {  	_ =	sfence.sel $0xFFFF  }
0xc3: {  	[dreg:$0x0] =	wrdreg $0xFFFFFFFF;
	(pc) =	sbr.abs _section_cstart, $3  }
0xc4: {  	[dreg:$0x1] =	wrdreg $0xFFFFFFFF  }
0xc5: {  	_ =	task.clear_ibuf [dreg:s9], $0x2FFFF;
	_ =	strace $0x9FFFFFFF  }
0xc6: {  	(tm) =	ssettm $0x7FFFFFFF  }
0xc7: {  	_ =	shalt  }
tec
execute0_lowered:
.L_overlay_start_1:
0x0: {  	(tag) =	ssettag $0x1  }
0x1: {  	s0 =	srdreg.scid  }
0x2: {  	s4 =	sand.u32 $0x1, s0  }
0x3: {  	s0 =	stileid.u32;
	s1 =	sshll.u32 s4, $0x4  }
0x4: {  	s7 =	sor.u32 s0, s1  }
0x5: {  	s13 =	smul.u32 $0xFA, s7;
	_ =	sdelay $0x1  }
0x6: {  	v14 =	vlaneseq.u32;
	s8 =	sand.u32 $0x1FF8, s13  }
0x7: {  	v0 =	vadd.s32 s8, v14;
	s16 =	sadd.s32 $0x10, s8  }
0x8: {  	s14 =	sadd.s32 $0xFA, s13;
	s17 =	sadd.s32 $0x20, s8;
	vm0 =	vge.u32 v0, s13;
	v1 =	vadd.s32 s16, v14  }
0x9: {  	s19 =	sadd.s32 $0x40, s8;
	s20 =	sadd.s32 $0x50, s8;
	s22 =	sadd.s32 $0x70, s8;
	vm1 =	vlt.u32 v0, s14;
	v0 =	vimm.f32 $0.0e+00;
	v3 =	vadd.s32 s17, v14  }
0xa: {  	s23 =	sadd.s32 $0x80, s8;
	s10 =	sadd.s32 $0xA0, s8;
	s25 =	sadd.s32 $0xB0, s8;
	v4 =	vadd.s32 s19, v14;
	v6 =	vadd.s32 s20, v14;
	v7 =	vadd.s32 s22, v14  }
0xb: {  	s29 =	sadd.s32 $0xD0, s8;
	s30 =	sadd.s32 $0xE0, s8;
	v9 =	vadd.s32 s23, v14;
	v10 =	vadd.s32 s10, v14;
	v12 =	vadd.s32 s25, v14  }
0xc: {  	v15 =	vadd.s32 s29, v14;
	v16 =	vadd.s32 s30, v14;
	vm2 =	vge.u32 v1, s13  }
0xd: {  	s18 =	sadd.s32 $0x30, s8;
	vm3 =	vlt.u32 v1, s14;
	vm0 =	vmand vm0, vm1;
	vm11 =	vge.u32 v3, s13  }
0xe: {  	vm12 =	vlt.u32 v3, s14;
	v3 =	vadd.s32 s18, v14;
	vm15 =	vge.u32 v4, s13  }
0xf: {  	vm4 =	vlt.u32 v4, s14;
	vm5 =	vlt.u32 v12, s14;
	vm10 =	vmand vm2, vm3  }
0x10: {  	v1 =	vsel vm0, $0x3F800000, v0;
	vm0 =	vmand vm11, vm12;
	vm13 =	vge.u32 v3, s13  }
0x11: {  	s26 =	sadd.s32 $0xC0, s8;
	vm14 =	vlt.u32 v3, s14;
	vm9 =	vmand vm15, vm4;
	vm11 =	vlt.u32 v6, s14  }
0x12: {  	vm15 =	vlt.u32 v7, s14;
	vm4 =	vge.u32 v12, s13;
	v12 =	vadd.s32 s26, v14  }
0x13: {  	s21 =	sadd.s32 $0x60, s8;
	v2 =	vsel vm10, $0x3F800000, v0;
	v3 =	vsel vm0, $0x3F800000, v0;
	vm8 =	vmand vm13, vm14  }
0x14: {  	v5 =	vsel vm9, $0x3F800000, v0;
	vm10 =	vge.u32 v6, s13;
	v6 =	vadd.s32 s21, v14  }
0x15: {  	vm14 =	vge.u32 v7, s13;
	vm9 =	vlt.u32 v9, s14;
	v4 =	vsel vm8, $0x3F800000, v0  }
0x16: {  	s5 =	rddreg [dreg:$0x0];
	s24 =	sadd.s32 $0x90, s8;
	vm0 =	vmand vm10, vm11;
	vm12 =	vge.u32 v6, s13;
	vm13 =	vlt.u32 v6, s14  }
0x17: {  	s6 =	rddreg [dreg:$0x1];
	s31 =	sadd.s32 $0xF0, s8;
	vm7 =	vmand vm14, vm15;
	vm8 =	vge.u32 v9, s13;
	v9 =	vadd.s32 s24, v14  }
0x18: {  	s9 =	rddreg [dreg:$0x2];
	v14 =	vadd.s32 s31, v14;
	v6 =	vsel vm0, $0x3F800000, v0;
	vm6 =	vmand vm12, vm13  }
0x19: {  	s2 =	rddreg [dreg:$0x3];
	s3 =	simm.s32 $0x0;
	v8 =	vsel vm7, $0x3F800000, v0;
	vm0 =	vmand vm8, vm9;
	vm10 =	vge.u32 v9, s13  }
0x1a: {  	s15 =	simm.s32 $0x4300;
	[smem:$0x7FF] =	sst s3;
	s4 =	ssub.s32 $0x2, s4;
	vm11 =	vlt.u32 v9, s14;
	vm12 =	vge.u32 v10, s13;
	vm13 =	vlt.u32 v10, s14  }
0x1b: {  	s12 =	sshll.u32 s0, $0xE;
	s1 =	rddreg [dreg:$0x4];
	s11 =	sshrl.u32 s4, $0x1;
	vm7 =	vlt.u32 v12, s14;
	vm9 =	vge.u32 v15, s13;
	v7 =	vsel vm6, $0x3F800000, v0  }
0x1c: {  	_ =	strace $0x80000047;
	s11 =	ssub.s32 s4, s11;
	s4 =	sadd.s32 s12, s2;
	v9 =	vsel vm0, $0x3F800000, v0;
	vm14 =	vmand vm10, vm11;
	vm15 =	vmand vm12, vm13  }
0x1d: {  	s7 =	sshll.u32 s7, $0xB;
	s12 =	simm.s32 $0x4100;
	s28 =	sshrl.u32 s13, $0x3;
	vm0 =	vmand vm4, vm5;
	vm6 =	vge.u32 v12, s13;
	vm10 =	vlt.u32 v15, s14  }
0x1e: {  	s7 =	sadd.s32 s9, s7;
	s9 =	simm.s32 $0x4400;
	s5 =	sadd.s32 s5, s28;
	vm11 =	vge.u32 v16, s13;
	vm12 =	vlt.u32 v16, s14;
	vm13 =	vge.u32 v14, s13  }
0x1f: {  	s6 =	sadd.s32 s6, s28;
	s8 =	smax.u32 s11, $0x1;
	s11 =	simm.s32 $0x4000;
	vm5 =	vlt.u32 v14, s14;
	v10 =	vsel vm14, $0x3F800000, v0;
	v11 =	vsel vm15, $0x3F800000, v0  }
0x20: {  	s10 =	simm.s32 $0x1;
	s16 =	simm.s32 $0x4280;
	s17 =	simm.s32 $0x4380;
	v12 =	vsel vm0, $0x3F800000, v0;
	vm8 =	vmand vm6, vm7;
	vm0 =	vmand vm9, vm10  }
0x21: {  	s19 =	sshrl.u32 s4, $0x3;
	s20 =	simm.s32 $0x0;
	s18 =	sshll.u32 s0, $0x6;
	vm14 =	vmand vm11, vm12;
	vm15 =	vmand vm13, vm5;
	v13 =	vsel vm8, $0x3F800000, v0  }
0x22: {  	s18 =	sor.u32 $0x1C01, s18;
	s13 =	simm.s32 $0x80;
	s14 =	simm.s32 $0x4200;
	v14 =	vsel vm0, $0x3F800000, v0;
	v15 =	vsel vm14, $0x3F800000, v0;
	v16 =	vsel vm15, $0x3F800000, v0  }
.LBB2_1:
0x23: {  	s21 =	simm.s32 $0x40;
	s22 =	simm.s32 $0x0  }
.LBB2_2:
0x24: {  	p0 =	sne.s32 s21, $0xFFC0;
	[tilespmem:s22+$0x4400] =	vst v0;
	s22 =	smov.u32 s21;
	s21 =	sadd.s32 $0x40, s21  }
.Ltmp0:
0x25: {  	(pc) =	sbr.rel @p0 .LBB2_2-.Ltmp0, $2  }
0x26: {  	_ =	sdelay $0x2  }
0x27: {  	s22 =	sshra.s32 s22, $0x2  }
0x28: {  	[tilespmem:s22+$0x4400] =	vst v0  }
0x29: {  	[spmem:s4] =	stream.linear.scatter [tilespmem:s9], [sflag:$0x1], $0x4000, $0x38;
	[tilespmem:$0x8400] =	vst v63  }
0x2a: {  	_ =	swait.ge [sflag:s10], $0x4000  }
0x2b: {  	[sflag:s10] =	ssyncset.done $0x0  }
0x2c: {  	[sflag:s10] =	ssyncadd.s32 $0xFFFFC000  }
0x2d: {  	[bflag:$0x0] =	sbarrier.arrive $0xFFFF  }
0x2e: {  	[tilespmem:s11], [sflag:$0x1] =	stream.linear.gather [hbm4b:s5+s3], $0x100, $0x38;
	[tilespmem:$0x8400] =	vst v63  }
0x2f: {  	_ =	swait.ge [sflag:s10], $0x100  }
0x30: {  	[sflag:s10] =	ssyncset.done $0x0  }
0x31: {  	[sflag:s10] =	ssyncadd.s32 $0xFFFFFF00  }
0x32: {  	[tilespmem:s12], [sflag:$0x1] =	stream.linear.gather [hbm4b:s6+s3], $0x100, $0x38;
	[tilespmem:$0x8400] =	vst v63  }
0x33: {  	_ =	swait.ge [sflag:s10], $0x100  }
0x34: {  	[sflag:s10] =	ssyncset.done $0x0  }
0x35: {  	[sflag:s10] =	ssyncadd.s32 $0xFFFFFF00  }
0x36: {  	v17 =	vld [tilespmem:$0x4100]  }
0x37: {  	v18 =	vld [tilespmem:$0x4000]  }
0x38: {  	v19 =	vld [tilespmem:$0x4110]  }
0x39: {  	v20 =	vld [tilespmem:$0x4010]  }
0x3a: {  	v21 =	vld [tilespmem:$0x4120]  }
0x3b: {  	v23 =	vld [tilespmem:$0x4020]  }
0x3c: {  	v53 =	vld [tilespmem:$0x4140]  }
0x3d: {  	v26 =	vld [tilespmem:$0x4040]  }
0x3e: {  	v56 =	vld [tilespmem:$0x4150]  }
0x3f: {  	v27 =	vld [tilespmem:$0x4050];
	v22 =	vshll.u32 v17, $0x9;
	v18 =	vshll.u32 v18, $0x7;
	v17 =	vand.u32 $0x7F, v17  }
0x40: {  	v61 =	vld [tilespmem:$0x4160];
	v52 =	vshll.u32 v19, $0x9;
	v20 =	vshll.u32 v20, $0x7;
	v19 =	vand.u32 $0x7F, v19  }
0x41: {  	v28 =	vld [tilespmem:$0x4060];
	v54 =	vshll.u32 v21, $0x9;
	v55 =	vshll.u32 v23, $0x7;
	v22 =	vand.u32 $0xFFFF0000, v22  }
0x42: {  	v57 =	vand.u32 $0x7F, v21;
	v63 =	vshll.u32 v53, $0x9;
	v18 =	vadd.s32 v18, v22  }
0x43: {  	v24 =	vld [tilespmem:$0x4130];
	v31 =	vshll.u32 v26, $0x7;
	v17 =	vor.u32 v17, v18;
	v18 =	vand.u32 $0xFFFF0000, v52  }
0x44: {  	v32 =	vld [tilespmem:$0x4170];
	v33 =	vand.u32 $0x7F, v53;
	v34 =	vshll.u32 v56, $0x9;
	v18 =	vadd.s32 v20, v18  }
0x45: {  	v35 =	vld [tilespmem:$0x4070];
	[tilespmem:$0x4300] =	vst v1;
	v36 =	vshll.u32 v27, $0x7;
	v18 =	vor.u32 v19, v18;
	v19 =	vand.u32 $0xFFFF0000, v54  }
0x46: {  	v37 =	vld [tilespmem:$0x4180];
	v38 =	vshll.u32 v61, $0x9;
	v40 =	vshll.u32 v28, $0x7;
	[tilespmem:$0x4200] =	vst v17;
	v19 =	vadd.s32 v55, v19  }
0x47: {  	v39 =	vld [tilespmem:$0x4080];
	v30 =	vand.u32 $0xFFFF0000, v63;
	[tilespmem:$0x4210] =	vst v18;
	v18 =	vand.u32 $0xFFFF0000, v34;
	v19 =	vor.u32 v57, v19  }
0x48: {  	v41 =	vld [tilespmem:$0x4190];
	v17 =	vadd.s32 v31, v30;
	v18 =	vadd.s32 v36, v18;
	[tilespmem:$0x4220] =	vst v19;
	v19 =	vand.u32 $0x7F, v56  }
0x49: {  	v43 =	vld [tilespmem:$0x4090];
	[tilespmem:$0x4310] =	vst v2;
	v17 =	vor.u32 v33, v17;
	v18 =	vor.u32 v19, v18;
	v19 =	vand.u32 $0xFFFF0000, v38  }
0x4a: {  	v44 =	vld [tilespmem:$0x41A0];
	v42 =	vshll.u32 v32, $0x9;
	[tilespmem:$0x4240] =	vst v17;
	v17 =	vadd.s32 v40, v19;
	v19 =	vand.u32 $0x7F, v61  }
0x4b: {  	[tilespmem:$0x4250] =	vst v18;
	v18 =	vand.u32 $0xFFFF0000, v42;
	v17 =	vor.u32 v19, v17;
	v19 =	vshll.u32 v35, $0x7  }
0x4c: {  	v58 =	vshll.u32 v24, $0x9;
	v45 =	vand.u32 $0x7F, v32;
	[tilespmem:$0x4260] =	vst v17;
	v17 =	vadd.s32 v19, v18;
	v19 =	vld [tilespmem:$0x40A0]  }
0x4d: {  	[tilespmem:$0x4320] =	vst v3;
	v23 =	vshll.u32 v39, $0x7;
	v46 =	vshll.u32 v41, $0x9;
	v18 =	vshll.u32 v37, $0x9  }
0x4e: {  	v25 =	vld [tilespmem:$0x4030];
	[tilespmem:$0x4330] =	vst v4;
	v48 =	vshll.u32 v43, $0x7;
	v18 =	vand.u32 $0xFFFF0000, v18;
	v17 =	vor.u32 v45, v17  }
0x4f: {  	v49 =	vld [tilespmem:$0x41B0];
	v50 =	vshll.u32 v44, $0x9;
	v18 =	vadd.s32 v23, v18;
	[tilespmem:$0x4270] =	vst v17;
	v17 =	vand.u32 $0x7F, v37  }
0x50: {  	[tilespmem:$0x4340] =	vst v5;
	v53 =	vld [tilespmem:$0x41C0];
	v47 =	vand.u32 $0xFFFF0000, v46;
	v52 =	vand.u32 $0xFFFF0000, v50;
	v17 =	vor.u32 v17, v18  }
0x51: {  	v51 =	vld [tilespmem:$0x40B0];
	v18 =	vadd.s32 v48, v47;
	[tilespmem:$0x4280] =	vst v17;
	v17 =	vand.u32 $0x7F, v41;
	v19 =	vshll.u32 v19, $0x7  }
0x52: {  	[tilespmem:$0x4350] =	vst v6;
	v54 =	vld [tilespmem:$0x40C0];
	v17 =	vor.u32 v17, v18;
	v18 =	vadd.s32 v19, v52;
	v19 =	vand.u32 $0x7F, v44  }
0x53: {  	v60 =	vshll.u32 v25, $0x7;
	v59 =	vand.u32 $0xFFFF0000, v58;
	[tilespmem:$0x4290] =	vst v17;
	v17 =	vor.u32 v19, v18;
	v18 =	vld [tilespmem:$0x41D0]  }
0x54: {  	[tilespmem:$0x4360] =	vst v7;
	v62 =	vand.u32 $0x7F, v24;
	v20 =	vadd.s32 v60, v59;
	v19 =	vld [tilespmem:$0x40D0]  }
0x55: {  	v20 =	vor.u32 v62, v20;
	v22 =	vand.u32 $0x7F, v53;
	[tilespmem:$0x42A0] =	vst v17;
	v17 =	vshll.u32 v49, $0x9  }
0x56: {  	[tilespmem:$0x4370] =	vst v8;
	v55 =	vshll.u32 v51, $0x7;
	v57 =	vshll.u32 v53, $0x9;
	v17 =	vand.u32 $0xFFFF0000, v17  }
0x57: {  	[tilespmem:$0x4380] =	vst v9;
	v59 =	vld [tilespmem:$0x41E0];
	v56 =	vand.u32 $0x7F, v49;
	v58 =	vand.u32 $0xFFFF0000, v57;
	v17 =	vadd.s32 v55, v17  }
0x58: {  	[tilespmem:$0x4230] =	vst v20;
	v20 =	vshll.u32 v54, $0x7;
	v61 =	vld [tilespmem:$0x40E0];
	v17 =	vor.u32 v56, v17;
	v60 =	vshll.u32 v18, $0x9  }
0x59: {  	[tilespmem:$0x42B0] =	vst v17;
	v17 =	vadd.s32 v20, v58;
	v19 =	vshll.u32 v19, $0x7;
	v20 =	vand.u32 $0xFFFF0000, v60  }
0x5a: {  	[tilespmem:$0x4390] =	vst v10;
	v18 =	vand.u32 $0x7F, v18;
	v17 =	vor.u32 v22, v17;
	v19 =	vadd.s32 v19, v20  }
0x5b: {  	[tilespmem:$0x42C0] =	vst v17;
	v17 =	vor.u32 v18, v19;
	v18 =	vld [tilespmem:$0x41F0]  }
0x5c: {  	v19 =	vld [tilespmem:$0x40F0];
	[tilespmem:$0x42D0] =	vst v17;
	v17 =	vshll.u32 v59, $0x9  }
0x5d: {  	[tilespmem:$0x43A0] =	vst v11;
	v62 =	vshll.u32 v61, $0x7;
	v17 =	vand.u32 $0xFFFF0000, v17  }
0x5e: {  	[tilespmem:$0x43B0] =	vst v12;
	v63 =	vand.u32 $0x7F, v59;
	v17 =	vadd.s32 v62, v17  }
0x5f: {  	[tilespmem:$0x43C0] =	vst v13;
	v17 =	vor.u32 v63, v17  }
0x60: {  	[tilespmem:$0x42E0] =	vst v17;
	v17 =	vshll.u32 v18, $0x9  }
0x61: {  	[tilespmem:$0x43D0] =	vst v14;
	v19 =	vshll.u32 v19, $0x7;
	v17 =	vand.u32 $0xFFFF0000, v17  }
0x62: {  	[tilespmem:$0x43E0] =	vst v15;
	v18 =	vand.u32 $0x7F, v18;
	v17 =	vadd.s32 v19, v17  }
0x63: {  	[tilespmem:$0x43F0] =	vst v16;
	v17 =	vor.u32 v18, v17  }
0x64: {  	[tilespmem:$0x42F0] =	vst v17  }
0x65: {  	[spmem:s2] =	stream.indirect.scatter.add.f32 [tilespmem:s15], [sflag:$0x1], $0x1, s14, s13, $0xb8;
	[tilespmem:$0x8400] =	vst v63  }
0x66: {  	_ =	swait.ge [sflag:s10], $0x80  }
0x67: {  	[sflag:s10] =	ssyncset.done $0x0  }
0x68: {  	[sflag:s10] =	ssyncadd.s32 $0xFFFFFF80  }
0x69: {  	[spmem:s2] =	stream.indirect.scatter.add.f32 [tilespmem:s17], [sflag:$0x1], $0x1, s16, s13, $0xb8;
	[tilespmem:$0x8400] =	vst v63  }
0x6a: {  	_ =	swait.ge [sflag:s10], $0x80  }
0x6b: {  	s20 =	sadd.s32 $0x1, s20;
	[sflag:s10] =	ssyncset.done $0x0  }
0x6c: {  	p0 =	sne.s32 s20, s8;
	[sflag:s10] =	ssyncadd.s32 $0xFFFFFF80  }
.Ltmp1:
0x6d: {  	[bflag:$0x0] =	sbarrier.arrive $0xFFFF;
	(pc) =	sbr.rel @p0 .LBB2_1-.Ltmp1, $4  }
0x6e: {  	[hbm:s7], [sflag:s18] =	dma.local [spmem:s19], $0x800  }
0x6f: {  	_ =	swait.ge [sflag:s10], $0x800  }
0x70: {  	[sflag:s10] =	ssyncset.done $0x0  }
0x71: {  	[sflag:s10] =	ssyncadd.s32 $0xFFFFF800  }
0x72: {  	_ =	sfence.sel $0x180000  }
0x73: {  	[bflag:$0x0] =	sbarrier.arrive $0xFFFF  }
0x74: {  	p0 =	sne.s32 s0, $0x0;
	_ =	strace $0x90000047  }
0x75: {  	s0 =	sadd.s32 @!p0 $0x100000, s1;
	[bflag:$0x2] =	sbarrier.arrive $0xFFFF  }
0x76: {  	[sflag:s0] =	ssyncadd.tile.s32 @!p0 $0x1;
	_ =	shalt  }
.Lfunc_end2:
_tile_overlayer_lowered:
.L_overlay_start_2:
0x77: {  	(tag) =	ssettag $0x2  }
0x78: {  	s0 =	rddreg [dreg:$0x0];
	s2 =	stileid.u32  }
0x79: {  	s1 =	rddreg [dreg:$0x1];
	p0 =	sne.s32 s2, $0x0  }
0x7a: {  	s3 =	rddreg [dreg:$0x2];
	[bflag:$0x3] =	sbarrier.arrive $0xFFFF;
	s2 =	simm.s32 @!p0 $0x1C01  }
0x7b: {  	[timem:s3], [sflag:s2] =	dma.local @!p0 [hbm:s0], s1  }
0x7c: {  	s0 =	simm.s32 @!p0 $0x1  }
0x7d: {  	_ =	swait.ge @!p0 [sflag:s0], s1  }
0x7e: {  	s1 =	ssub.s32 @!p0 $0x0, s1;
	[sflag:s0] =	ssyncset.done @!p0 $0x0  }
0x7f: {  	[sflag:s0] =	ssyncadd.s32 @!p0 s1  }
0x80: {  	[bflag:$0x3] =	sbarrier.arrive $0xFFFF  }
0x81: {  	_ =	shalt  }

</sc_bundles>
